<compile_context>
chip_gen: v7x
topology: tpu7x:2x2x1
jax: 0.10.2.dev20260603
libtpu: 0.0.44.dev20260713+nightly
codegen_flags: <defaults>
</compile_context>

<pallas_src>
import jax
import jax.numpy as jnp
from jax import lax
from jax.experimental import pallas as pl
from jax.experimental.pallas import tpu as pltpu
from jax.experimental.pallas import tpu_sc as plsc

_VOCAB_PAD = 1024
_DIM = 64
_ROW = 128
_NC = 2
_NS = 16
_LANES = 16
_LPAD = 56
_NL = 50
_WB = 4


def _tanh16(x):
    e = jnp.exp(2.0 * x)
    return 1.0 - 2.0 / (e + 1.0)


def _body(idx_hbm, t_hbm, out_hbm, shared, tload, tbuild, uv, buf0, buf1,
          sem_idx, sem_ge, sem_wr):
    c = lax.axis_index("c")
    s = lax.axis_index("s")
    wid = c * _NS + s
    raw_rows = _VOCAB_PAD // _NS
    bpt = uv.shape[0] // _LPAD
    bbase = wid * bpt

    idx_cp = pltpu.async_copy(
        idx_hbm.at[pl.ds(bbase * _LPAD, bpt * _LPAD)], uv, sem_idx)

    pltpu.sync_copy(t_hbm.at[pl.ds(s * raw_rows, raw_rows)], tload)
    zero = jnp.zeros((_LANES,), jnp.float32)

    def build_row(r, _):
        for c4 in range(_DIM // _LANES):
            sl = pl.ds(c4 * _LANES, _LANES)
            sh = pl.ds(_DIM + c4 * _LANES, _LANES)
            tbuild[r, sl] = _tanh16(tload[r, sl])
            tbuild[r, sh] = zero
        return _

    lax.fori_loop(0, raw_rows, build_row, None)
    pltpu.sync_copy(tbuild, shared.at[pl.ds(s * raw_rows, raw_rows)])
    idx_cp.wait()
    plsc.subcore_barrier()

    n_chunks = bpt // _WB

    def gath(ch, k, buf):
        return pltpu.async_copy(
            shared.at[uv.at[pl.ds((_WB * ch + k) * _LPAD, _NL)]],
            buf.at[pl.ds(k * _LPAD, _NL)], sem_ge)

    def dst(ch):
        return out_hbm.at[pl.ds((bbase + _WB * ch) * _LPAD, _WB * _LPAD)]

    for k in range(_WB):
        gath(0, k, buf0)

    def step(ch, cur, nxt):
        for k in range(_WB):
            pltpu.make_async_copy(
                shared.at[uv.at[pl.ds(_WB * ch * _LPAD, _NL)]],
                cur.at[pl.ds(k * _LPAD, _NL)], sem_ge).wait()
        @pl.when(ch > 0)
        def _():
            pltpu.make_async_copy(nxt, dst(ch - 1), sem_wr).wait()
        @pl.when(ch + 1 < n_chunks)
        def _():
            for k in range(_WB):
                gath(ch + 1, k, nxt)
        pltpu.async_copy(cur, dst(ch), sem_wr)

    def pair(j, _):
        step(2 * j, buf0, buf1)
        step(2 * j + 1, buf1, buf0)
        return _

    lax.fori_loop(0, n_chunks // 2, pair, None)
    pltpu.make_async_copy(buf1, dst(n_chunks - 1), sem_wr).wait()


def kernel(input, table):
    b, l = input.shape
    nw = _NC * _NS
    bpt = b // nw
    v, d = table.shape

    idxp = jnp.pad(input.astype(jnp.int32), ((0, 0), (0, _LPAD - l))).reshape(
        b * _LPAD)
    tpad = jnp.zeros((_VOCAB_PAD, _DIM), jnp.float32).at[:v].set(table)

    mesh = plsc.VectorSubcoreMesh(core_axis_name="c", subcore_axis_name="s")
    run = pl.kernel(
        _body,
        out_type=jax.ShapeDtypeStruct((b * _LPAD, _ROW), jnp.float32),
        mesh=mesh,
        scratch_types=[
            pltpu.VMEM_SHARED((_VOCAB_PAD, _ROW), jnp.float32),
            pltpu.VMEM((_VOCAB_PAD // _NS, _DIM), jnp.float32),
            pltpu.VMEM((_VOCAB_PAD // _NS, _ROW), jnp.float32),
            pltpu.VMEM((bpt * _LPAD,), jnp.int32),
            pltpu.VMEM((_WB * _LPAD, _ROW), jnp.float32),
            pltpu.VMEM((_WB * _LPAD, _ROW), jnp.float32),
            pltpu.SemaphoreType.DMA,
            pltpu.SemaphoreType.DMA,
            pltpu.SemaphoreType.DMA,
        ],
    )
    out = run(idxp, tpad)
    return out.reshape(b, _LPAD, _ROW)[:, :l, :d]

# --- scband reference (transcript-rebuilt; emitter-appended) ---
"""Pipeline reference for scband-my-embedding-52381421142195 (READ-ONLY COPY).

The authoritative reference and input builder live on the scoring server;
editing this copy changes nothing except your own understanding.
"""

import jax, jax.numpy as jnp
import numpy as np

VOCAB = 1000
DIM = 64
B = 4096
L = 50

def setup_inputs(seed: int = 0) -> dict:
    key = jax.random.key(seed)
    k1, k2 = jax.random.split(key)
    indices = jax.random.randint(k1, (B, L), 0, VOCAB)
    # embedding table: normal(0.0, 0.1), padding_idx=0 row zeroed
    table = jax.random.normal(k2, (VOCAB, DIM), dtype=jnp.float32) * 0.1
    table = table.at[0].set(0.0)
    return {"input": indices, "table": table}

def reference(input, table):
    embed = jnp.take(table, input, axis=0)
    embed = jnp.tanh(embed)
    return embed

if __name__ == "__main__":
    import jax
    _d = setup_inputs()
    print(jax.jit(kernel)(*tuple(_d.values())))

</pallas_src>

<mosaic_0001>
#map = affine_map<(d0, d1) -> (0)>
#map1 = affine_map<(d0, d1) -> (0, 0)>
module attributes {stable_mosaic.version = 14 : i64} {
  func.func @_body(%arg0: i32, %arg1: i32, %arg2: memref<229376xi32, #tpu.memory_space<hbm>>, %arg3: memref<1024x64xf32, #tpu.memory_space<hbm>>, %arg4: memref<229376x128xf32, #tpu.memory_space<hbm>>, %arg5: memref<1024x128xf32, #tpu.memory_space<vmem_shared>>, %arg6: memref<64x64xf32, #tpu.memory_space<vmem>>, %arg7: memref<64x128xf32, #tpu.memory_space<vmem>>, %arg8: memref<7168xi32, #tpu.memory_space<vmem>>, %arg9: memref<224x128xf32, #tpu.memory_space<vmem>>, %arg10: memref<224x128xf32, #tpu.memory_space<vmem>>, %arg11: memref<!tpu.dma_semaphore, #tpu.memory_space<semaphore_mem>>, %arg12: memref<!tpu.dma_semaphore, #tpu.memory_space<semaphore_mem>>, %arg13: memref<!tpu.dma_semaphore, #tpu.memory_space<semaphore_mem>>) attributes {dimension_semantics = [#tpu.dimension_semantics<core_parallel>, #tpu.dimension_semantics<subcore_parallel>], iteration_bounds = array<i64: 2, 16>, scalar_prefetch = 0 : i64, scratch_operands = 9 : i64, tpu.core_type = #tpu.core_type<sc_vector_subcore>, window_params = [{transform_indices = #map}, {transform_indices = #map1}, {transform_indices = #map1}]} {
    %mul3A = arith.constant 16 : i32
    %mul3A_0 = arith.muli %arg0, %mul3A : i32
    %add3A = arith.addi %mul3A_0, %arg1 : i32
    %mul3A_1 = arith.constant 128 : i32
    %mul3A_2 = arith.muli %add3A, %mul3A_1 : i32
    %mul3A_3 = arith.constant 56 : i32
    %mul3A_4 = arith.muli %mul3A_2, %mul3A_3 : i32
    %dma_start3A = tpu.memref_slice %arg2[%mul3A_4] : memref<229376xi32, #tpu.memory_space<hbm>> -> memref<7168xi32, #tpu.memory_space<hbm>>
    %dma_start3A_5 = tpu.memref_slice %arg2[%mul3A_4] : memref<229376xi32, #tpu.memory_space<hbm>> -> memref<7168xi32, #tpu.memory_space<hbm>>
    tpu.enqueue_dma source(%dma_start3A_5 : memref<7168xi32, #tpu.memory_space<hbm>>) target(%arg8 : memref<7168xi32, #tpu.memory_space<vmem>>) target_semaphore(%arg11 : memref<!tpu.dma_semaphore, #tpu.memory_space<semaphore_mem>>)
    %mul3A_6 = arith.constant 64 : i32
    %mul3A_7 = arith.muli %arg1, %mul3A_6 : i32
    "tpu.region"() ({
      %run_scoped3A = tpu.sem_alloc : memref<!tpu.dma_semaphore, #tpu.memory_space<semaphore_mem>>
      %dma_start3A_61 = arith.constant 0 : i32
      %dma_start3A_62 = tpu.memref_slice %arg3[%mul3A_7, %dma_start3A_61] : memref<1024x64xf32, #tpu.memory_space<hbm>> -> memref<64x64xf32, #tpu.memory_space<hbm>>
      %dma_start3A_63 = arith.constant 0 : i32
      %dma_start3A_64 = tpu.memref_slice %arg3[%mul3A_7, %dma_start3A_63] : memref<1024x64xf32, #tpu.memory_space<hbm>> -> memref<64x64xf32, #tpu.memory_space<hbm>>
      tpu.enqueue_dma source(%dma_start3A_64 : memref<64x64xf32, #tpu.memory_space<hbm>>) target(%arg6 : memref<64x64xf32, #tpu.memory_space<vmem>>) target_semaphore(%run_scoped3A : memref<!tpu.dma_semaphore, #tpu.memory_space<semaphore_mem>>)
      %dma_wait3A_65 = arith.constant 0 : i32
      %dma_wait3A_66 = tpu.memref_slice %arg3[%mul3A_7, %dma_wait3A_65] : memref<1024x64xf32, #tpu.memory_space<hbm>> -> memref<64x64xf32, #tpu.memory_space<hbm>>
      %dma_wait3A_67 = arith.constant 0 : i32
      %dma_wait3A_68 = tpu.memref_slice %arg3[%mul3A_7, %dma_wait3A_67] : memref<1024x64xf32, #tpu.memory_space<hbm>> -> memref<64x64xf32, #tpu.memory_space<hbm>>
      tpu.wait_dma2 semaphore(%run_scoped3A : memref<!tpu.dma_semaphore, #tpu.memory_space<semaphore_mem>>) src(%dma_wait3A_68 : memref<64x64xf32, #tpu.memory_space<hbm>>) dst(%arg6 : memref<64x64xf32, #tpu.memory_space<vmem>>)
      tpu.yield
    }) : () -> ()
    %broadcast_in_dim3A = arith.constant 0.000000e+00 : f32
    %broadcast_in_dim3A_8 = vector.broadcast %broadcast_in_dim3A : f32 to vector<16xf32>
    %scan3A = arith.constant 0 : i32
    %scan3A_9 = arith.constant 64 : i32
    %scan3A_10 = arith.addi %scan3A, %scan3A_9 : i32
    %scan3A_11 = arith.constant 1 : i32
    scf.for %scan3A_61 = %scan3A to %scan3A_10 step %scan3A_11  : i32 {
      %get3A = arith.index_cast %scan3A_61 : i32 to index
      %get3A_62 = arith.constant 0 : index
      %get3A_63 = tpu.vector_load %arg6[%get3A, %get3A_62] {strides = array<i32>} : memref<64x64xf32, #tpu.memory_space<vmem>>, vector<1x16xf32>,
      %get3A_64 = vector.shape_cast %get3A_63 : vector<1x16xf32> to vector<16xf32>
      %mul3A_65 = arith.constant 2.000000e+00 : f32
      %mul3A_66 = vector.broadcast %mul3A_65 : f32 to vector<16xf32>
      %mul3A_67 = arith.mulf %mul3A_66, %get3A_64 : vector<16xf32>
      %exp3A = math.exp %mul3A_67 : vector<16xf32>
      %add3A_68 = arith.constant 1.000000e+00 : f32
      %add3A_69 = vector.broadcast %add3A_68 : f32 to vector<16xf32>
      %add3A_70 = arith.addf %exp3A, %add3A_69 : vector<16xf32>
      %div3A = arith.constant 2.000000e+00 : f32
      %div3A_71 = vector.broadcast %div3A : f32 to vector<16xf32>
      %div3A_72 = arith.divf %div3A_71, %add3A_70 : vector<16xf32>
      %sub3A = arith.constant 1.000000e+00 : f32
      %sub3A_73 = vector.broadcast %sub3A : f32 to vector<16xf32>
      %sub3A_74 = arith.subf %sub3A_73, %div3A_72 : vector<16xf32>
      %swap3A = arith.index_cast %scan3A_61 : i32 to index
      %swap3A_75 = arith.constant 0 : index
      %swap3A_76 = tpu.vector_load %arg7[%swap3A, %swap3A_75] {strides = array<i32>} : memref<64x128xf32, #tpu.memory_space<vmem>>, vector<1x16xf32>,
      %swap3A_77 = vector.shape_cast %swap3A_76 : vector<1x16xf32> to vector<16xf32>
      %swap3A_78 = vector.shape_cast %sub3A_74 : vector<16xf32> to vector<1x16xf32>
      tpu.vector_store %arg7[%swap3A, %swap3A_75], %swap3A_78 {strides = array<i32>} : memref<64x128xf32, #tpu.memory_space<vmem>>, vector<1x16xf32>,
      %swap3A_79 = arith.index_cast %scan3A_61 : i32 to index
      %swap3A_80 = arith.constant 64 : index
      %swap3A_81 = tpu.vector_load %arg7[%swap3A_79, %swap3A_80] {strides = array<i32>} : memref<64x128xf32, #tpu.memory_space<vmem>>, vector<1x16xf32>,
      %swap3A_82 = vector.shape_cast %swap3A_81 : vector<1x16xf32> to vector<16xf32>
      %swap3A_83 = vector.shape_cast %broadcast_in_dim3A_8 : vector<16xf32> to vector<1x16xf32>
      tpu.vector_store %arg7[%swap3A_79, %swap3A_80], %swap3A_83 {strides = array<i32>} : memref<64x128xf32, #tpu.memory_space<vmem>>, vector<1x16xf32>,
      %get3A_84 = arith.index_cast %scan3A_61 : i32 to index
      %get3A_85 = arith.constant 16 : index
      %get3A_86 = tpu.vector_load %arg6[%get3A_84, %get3A_85] {strides = array<i32>} : memref<64x64xf32, #tpu.memory_space<vmem>>, vector<1x16xf32>,
      %get3A_87 = vector.shape_cast %get3A_86 : vector<1x16xf32> to vector<16xf32>
      %mul3A_88 = arith.constant 2.000000e+00 : f32
      %mul3A_89 = vector.broadcast %mul3A_88 : f32 to vector<16xf32>
      %mul3A_90 = arith.mulf %mul3A_89, %get3A_87 : vector<16xf32>
      %exp3A_91 = math.exp %mul3A_90 : vector<16xf32>
      %add3A_92 = arith.constant 1.000000e+00 : f32
      %add3A_93 = vector.broadcast %add3A_92 : f32 to vector<16xf32>
      %add3A_94 = arith.addf %exp3A_91, %add3A_93 : vector<16xf32>
      %div3A_95 = arith.constant 2.000000e+00 : f32
      %div3A_96 = vector.broadcast %div3A_95 : f32 to vector<16xf32>
      %div3A_97 = arith.divf %div3A_96, %add3A_94 : vector<16xf32>
      %sub3A_98 = arith.constant 1.000000e+00 : f32
      %sub3A_99 = vector.broadcast %sub3A_98 : f32 to vector<16xf32>
      %sub3A_100 = arith.subf %sub3A_99, %div3A_97 : vector<16xf32>
      %swap3A_101 = arith.index_cast %scan3A_61 : i32 to index
      %swap3A_102 = arith.constant 16 : index
      %swap3A_103 = tpu.vector_load %arg7[%swap3A_101, %swap3A_102] {strides = array<i32>} : memref<64x128xf32, #tpu.memory_space<vmem>>, vector<1x16xf32>,
      %swap3A_104 = vector.shape_cast %swap3A_103 : vector<1x16xf32> to vector<16xf32>
      %swap3A_105 = vector.shape_cast %sub3A_100 : vector<16xf32> to vector<1x16xf32>
      tpu.vector_store %arg7[%swap3A_101, %swap3A_102], %swap3A_105 {strides = array<i32>} : memref<64x128xf32, #tpu.memory_space<vmem>>, vector<1x16xf32>,
      %swap3A_106 = arith.index_cast %scan3A_61 : i32 to index
      %swap3A_107 = arith.constant 80 : index
      %swap3A_108 = tpu.vector_load %arg7[%swap3A_106, %swap3A_107] {strides = array<i32>} : memref<64x128xf32, #tpu.memory_space<vmem>>, vector<1x16xf32>,
      %swap3A_109 = vector.shape_cast %swap3A_108 : vector<1x16xf32> to vector<16xf32>
      %swap3A_110 = vector.shape_cast %broadcast_in_dim3A_8 : vector<16xf32> to vector<1x16xf32>
      tpu.vector_store %arg7[%swap3A_106, %swap3A_107], %swap3A_110 {strides = array<i32>} : memref<64x128xf32, #tpu.memory_space<vmem>>, vector<1x16xf32>,
      %get3A_111 = arith.index_cast %scan3A_61 : i32 to index
      %get3A_112 = arith.constant 32 : index
      %get3A_113 = tpu.vector_load %arg6[%get3A_111, %get3A_112] {strides = array<i32>} : memref<64x64xf32, #tpu.memory_space<vmem>>, vector<1x16xf32>,
      %get3A_114 = vector.shape_cast %get3A_113 : vector<1x16xf32> to vector<16xf32>
      %mul3A_115 = arith.constant 2.000000e+00 : f32
      %mul3A_116 = vector.broadcast %mul3A_115 : f32 to vector<16xf32>
      %mul3A_117 = arith.mulf %mul3A_116, %get3A_114 : vector<16xf32>
      %exp3A_118 = math.exp %mul3A_117 : vector<16xf32>
      %add3A_119 = arith.constant 1.000000e+00 : f32
      %add3A_120 = vector.broadcast %add3A_119 : f32 to vector<16xf32>
      %add3A_121 = arith.addf %exp3A_118, %add3A_120 : vector<16xf32>
      %div3A_122 = arith.constant 2.000000e+00 : f32
      %div3A_123 = vector.broadcast %div3A_122 : f32 to vector<16xf32>
      %div3A_124 = arith.divf %div3A_123, %add3A_121 : vector<16xf32>
      %sub3A_125 = arith.constant 1.000000e+00 : f32
      %sub3A_126 = vector.broadcast %sub3A_125 : f32 to vector<16xf32>
      %sub3A_127 = arith.subf %sub3A_126, %div3A_124 : vector<16xf32>
      %swap3A_128 = arith.index_cast %scan3A_61 : i32 to index
      %swap3A_129 = arith.constant 32 : index
      %swap3A_130 = tpu.vector_load %arg7[%swap3A_128, %swap3A_129] {strides = array<i32>} : memref<64x128xf32, #tpu.memory_space<vmem>>, vector<1x16xf32>,
      %swap3A_131 = vector.shape_cast %swap3A_130 : vector<1x16xf32> to vector<16xf32>
      %swap3A_132 = vector.shape_cast %sub3A_127 : vector<16xf32> to vector<1x16xf32>
      tpu.vector_store %arg7[%swap3A_128, %swap3A_129], %swap3A_132 {strides = array<i32>} : memref<64x128xf32, #tpu.memory_space<vmem>>, vector<1x16xf32>,
      %swap3A_133 = arith.index_cast %scan3A_61 : i32 to index
      %swap3A_134 = arith.constant 96 : index
      %swap3A_135 = tpu.vector_load %arg7[%swap3A_133, %swap3A_134] {strides = array<i32>} : memref<64x128xf32, #tpu.memory_space<vmem>>, vector<1x16xf32>,
      %swap3A_136 = vector.shape_cast %swap3A_135 : vector<1x16xf32> to vector<16xf32>
      %swap3A_137 = vector.shape_cast %broadcast_in_dim3A_8 : vector<16xf32> to vector<1x16xf32>
      tpu.vector_store %arg7[%swap3A_133, %swap3A_134], %swap3A_137 {strides = array<i32>} : memref<64x128xf32, #tpu.memory_space<vmem>>, vector<1x16xf32>,
      %get3A_138 = arith.index_cast %scan3A_61 : i32 to index
      %get3A_139 = arith.constant 48 : index
      %get3A_140 = tpu.vector_load %arg6[%get3A_138, %get3A_139] {strides = array<i32>} : memref<64x64xf32, #tpu.memory_space<vmem>>, vector<1x16xf32>,
      %get3A_141 = vector.shape_cast %get3A_140 : vector<1x16xf32> to vector<16xf32>
      %mul3A_142 = arith.constant 2.000000e+00 : f32
      %mul3A_143 = vector.broadcast %mul3A_142 : f32 to vector<16xf32>
      %mul3A_144 = arith.mulf %mul3A_143, %get3A_141 : vector<16xf32>
      %exp3A_145 = math.exp %mul3A_144 : vector<16xf32>
      %add3A_146 = arith.constant 1.000000e+00 : f32
      %add3A_147 = vector.broadcast %add3A_146 : f32 to vector<16xf32>
      %add3A_148 = arith.addf %exp3A_145, %add3A_147 : vector<16xf32>
      %div3A_149 = arith.constant 2.000000e+00 : f32
      %div3A_150 = vector.broadcast %div3A_149 : f32 to vector<16xf32>
      %div3A_151 = arith.divf %div3A_150, %add3A_148 : vector<16xf32>
      %sub3A_152 = arith.constant 1.000000e+00 : f32
      %sub3A_153 = vector.broadcast %sub3A_152 : f32 to vector<16xf32>
      %sub3A_154 = arith.subf %sub3A_153, %div3A_151 : vector<16xf32>
      %swap3A_155 = arith.index_cast %scan3A_61 : i32 to index
      %swap3A_156 = arith.constant 48 : index
      %swap3A_157 = tpu.vector_load %arg7[%swap3A_155, %swap3A_156] {strides = array<i32>} : memref<64x128xf32, #tpu.memory_space<vmem>>, vector<1x16xf32>,
      %swap3A_158 = vector.shape_cast %swap3A_157 : vector<1x16xf32> to vector<16xf32>
      %swap3A_159 = vector.shape_cast %sub3A_154 : vector<16xf32> to vector<1x16xf32>
      tpu.vector_store %arg7[%swap3A_155, %swap3A_156], %swap3A_159 {strides = array<i32>} : memref<64x128xf32, #tpu.memory_space<vmem>>, vector<1x16xf32>,
      %swap3A_160 = arith.index_cast %scan3A_61 : i32 to index
      %swap3A_161 = arith.constant 112 : index
      %swap3A_162 = tpu.vector_load %arg7[%swap3A_160, %swap3A_161] {strides = array<i32>} : memref<64x128xf32, #tpu.memory_space<vmem>>, vector<1x16xf32>,
      %swap3A_163 = vector.shape_cast %swap3A_162 : vector<1x16xf32> to vector<16xf32>
      %swap3A_164 = vector.shape_cast %broadcast_in_dim3A_8 : vector<16xf32> to vector<1x16xf32>
      tpu.vector_store %arg7[%swap3A_160, %swap3A_161], %swap3A_164 {strides = array<i32>} : memref<64x128xf32, #tpu.memory_space<vmem>>, vector<1x16xf32>,
    }
    %scan3A_12 = arith.constant 64 : i32
    %mul3A_13 = arith.constant 64 : i32
    %mul3A_14 = arith.muli %arg1, %mul3A_13 : i32
    "tpu.region"() ({
      %run_scoped3A = tpu.sem_alloc : memref<!tpu.dma_semaphore, #tpu.memory_space<semaphore_mem>>
      %dma_start3A_61 = arith.constant 0 : i32
      %dma_start3A_62 = tpu.memref_slice %arg5[%mul3A_14, %dma_start3A_61] : memref<1024x128xf32, #tpu.memory_space<vmem_shared>> -> memref<64x128xf32, #tpu.memory_space<vmem_shared>>
      %dma_start3A_63 = arith.constant 0 : i32
      %dma_start3A_64 = tpu.memref_slice %arg5[%mul3A_14, %dma_start3A_63] : memref<1024x128xf32, #tpu.memory_space<vmem_shared>> -> memref<64x128xf32, #tpu.memory_space<vmem_shared>>
      tpu.enqueue_dma source(%arg7 : memref<64x128xf32, #tpu.memory_space<vmem>>) target(%dma_start3A_64 : memref<64x128xf32, #tpu.memory_space<vmem_shared>>) target_semaphore(%run_scoped3A : memref<!tpu.dma_semaphore, #tpu.memory_space<semaphore_mem>>)
      %dma_wait3A_65 = arith.constant 0 : i32
      %dma_wait3A_66 = tpu.memref_slice %arg5[%mul3A_14, %dma_wait3A_65] : memref<1024x128xf32, #tpu.memory_space<vmem_shared>> -> memref<64x128xf32, #tpu.memory_space<vmem_shared>>
      %dma_wait3A_67 = arith.constant 0 : i32
      %dma_wait3A_68 = tpu.memref_slice %arg5[%mul3A_14, %dma_wait3A_67] : memref<1024x128xf32, #tpu.memory_space<vmem_shared>> -> memref<64x128xf32, #tpu.memory_space<vmem_shared>>
      tpu.wait_dma2 semaphore(%run_scoped3A : memref<!tpu.dma_semaphore, #tpu.memory_space<semaphore_mem>>) src(%arg7 : memref<64x128xf32, #tpu.memory_space<vmem>>) dst(%dma_wait3A_68 : memref<64x128xf32, #tpu.memory_space<vmem_shared>>)
      tpu.yield
    }) : () -> ()
    %dma_wait3A = tpu.memref_slice %arg2[%mul3A_4] : memref<229376xi32, #tpu.memory_space<hbm>> -> memref<7168xi32, #tpu.memory_space<hbm>>
    %dma_wait3A_15 = tpu.memref_slice %arg2[%mul3A_4] : memref<229376xi32, #tpu.memory_space<hbm>> -> memref<7168xi32, #tpu.memory_space<hbm>>
    tpu.wait_dma2 semaphore(%arg11 : memref<!tpu.dma_semaphore, #tpu.memory_space<semaphore_mem>>) src(%dma_wait3A_15 : memref<7168xi32, #tpu.memory_space<hbm>>) dst(%arg8 : memref<7168xi32, #tpu.memory_space<vmem>>)
    %barrier3A = arith.constant 0 : index
    tpu.barrier barrier_id(%barrier3A)
    %dma_start3A_16 = arith.constant 0 : i32
    %dma_start3A_17 = arith.constant 0 : i32
    %dma_start3A_18 = tpu.memref_slice %arg9[%dma_start3A_16, %dma_start3A_17] : memref<224x128xf32, #tpu.memory_space<vmem>> -> memref<50x128xf32, #tpu.memory_space<vmem>>
    %dma_start3A_19 = arith.constant 0 : i32
    %dma_start3A_20 = tpu.memref_slice %arg8[%dma_start3A_19] : memref<7168xi32, #tpu.memory_space<vmem>> -> memref<50xi32, #tpu.memory_space<vmem>>
    %dma_start3A_21 = arith.constant 0 : i32
    %dma_start3A_22 = arith.constant 0 : i32
    %dma_start3A_23 = tpu.memref_slice %arg5[%dma_start3A_21, %dma_start3A_22] : memref<1024x128xf32, #tpu.memory_space<vmem_shared>> -> memref<1024x128xf32, #tpu.memory_space<vmem_shared>>
    tpu.enqueue_indirect_dma source(%dma_start3A_23 : memref<1024x128xf32, #tpu.memory_space<vmem_shared>>) target(%dma_start3A_18 : memref<50x128xf32, #tpu.memory_space<vmem>>) offsets(%dma_start3A_20 : memref<50xi32, #tpu.memory_space<vmem>>) semaphore(%arg12 : memref<!tpu.dma_semaphore, #tpu.memory_space<semaphore_mem>>)
    %dma_start3A_24 = arith.constant 56 : i32
    %dma_start3A_25 = arith.constant 0 : i32
    %dma_start3A_26 = tpu.memref_slice %arg9[%dma_start3A_24, %dma_start3A_25] : memref<224x128xf32, #tpu.memory_space<vmem>> -> memref<50x128xf32, #tpu.memory_space<vmem>>
    %dma_start3A_27 = arith.constant 56 : i32
    %dma_start3A_28 = tpu.memref_slice %arg8[%dma_start3A_27] : memref<7168xi32, #tpu.memory_space<vmem>> -> memref<50xi32, #tpu.memory_space<vmem>>
    %dma_start3A_29 = arith.constant 0 : i32
    %dma_start3A_30 = arith.constant 0 : i32
    %dma_start3A_31 = tpu.memref_slice %arg5[%dma_start3A_29, %dma_start3A_30] : memref<1024x128xf32, #tpu.memory_space<vmem_shared>> -> memref<1024x128xf32, #tpu.memory_space<vmem_shared>>
    tpu.enqueue_indirect_dma source(%dma_start3A_31 : memref<1024x128xf32, #tpu.memory_space<vmem_shared>>) target(%dma_start3A_26 : memref<50x128xf32, #tpu.memory_space<vmem>>) offsets(%dma_start3A_28 : memref<50xi32, #tpu.memory_space<vmem>>) semaphore(%arg12 : memref<!tpu.dma_semaphore, #tpu.memory_space<semaphore_mem>>)
    %dma_start3A_32 = arith.constant 112 : i32
    %dma_start3A_33 = arith.constant 0 : i32
    %dma_start3A_34 = tpu.memref_slice %arg9[%dma_start3A_32, %dma_start3A_33] : memref<224x128xf32, #tpu.memory_space<vmem>> -> memref<50x128xf32, #tpu.memory_space<vmem>>
    %dma_start3A_35 = arith.constant 112 : i32
    %dma_start3A_36 = tpu.memref_slice %arg8[%dma_start3A_35] : memref<7168xi32, #tpu.memory_space<vmem>> -> memref<50xi32, #tpu.memory_space<vmem>>
    %dma_start3A_37 = arith.constant 0 : i32
    %dma_start3A_38 = arith.constant 0 : i32
    %dma_start3A_39 = tpu.memref_slice %arg5[%dma_start3A_37, %dma_start3A_38] : memref<1024x128xf32, #tpu.memory_space<vmem_shared>> -> memref<1024x128xf32, #tpu.memory_space<vmem_shared>>
    tpu.enqueue_indirect_dma source(%dma_start3A_39 : memref<1024x128xf32, #tpu.memory_space<vmem_shared>>) target(%dma_start3A_34 : memref<50x128xf32, #tpu.memory_space<vmem>>) offsets(%dma_start3A_36 : memref<50xi32, #tpu.memory_space<vmem>>) semaphore(%arg12 : memref<!tpu.dma_semaphore, #tpu.memory_space<semaphore_mem>>)
    %dma_start3A_40 = arith.constant 168 : i32
    %dma_start3A_41 = arith.constant 0 : i32
    %dma_start3A_42 = tpu.memref_slice %arg9[%dma_start3A_40, %dma_start3A_41] : memref<224x128xf32, #tpu.memory_space<vmem>> -> memref<50x128xf32, #tpu.memory_space<vmem>>
    %dma_start3A_43 = arith.constant 168 : i32
    %dma_start3A_44 = tpu.memref_slice %arg8[%dma_start3A_43] : memref<7168xi32, #tpu.memory_space<vmem>> -> memref<50xi32, #tpu.memory_space<vmem>>
    %dma_start3A_45 = arith.constant 0 : i32
    %dma_start3A_46 = arith.constant 0 : i32
    %dma_start3A_47 = tpu.memref_slice %arg5[%dma_start3A_45, %dma_start3A_46] : memref<1024x128xf32, #tpu.memory_space<vmem_shared>> -> memref<1024x128xf32, #tpu.memory_space<vmem_shared>>
    tpu.enqueue_indirect_dma source(%dma_start3A_47 : memref<1024x128xf32, #tpu.memory_space<vmem_shared>>) target(%dma_start3A_42 : memref<50x128xf32, #tpu.memory_space<vmem>>) offsets(%dma_start3A_44 : memref<50xi32, #tpu.memory_space<vmem>>) semaphore(%arg12 : memref<!tpu.dma_semaphore, #tpu.memory_space<semaphore_mem>>)
    %scan3A_48 = arith.constant 0 : i32
    %scan3A_49 = arith.constant 16 : i32
    %scan3A_50 = arith.addi %scan3A_48, %scan3A_49 : i32
    %scan3A_51 = arith.constant 1 : i32
    scf.for %scan3A_61 = %scan3A_48 to %scan3A_50 step %scan3A_51  : i32 {
      %mul3A_62 = arith.constant 2 : i32
      %mul3A_63 = arith.muli %mul3A_62, %scan3A_61 : i32
      %mul3A_64 = arith.constant 4 : i32
      %mul3A_65 = arith.muli %mul3A_64, %mul3A_63 : i32
      %mul3A_66 = arith.constant 56 : i32
      %mul3A_67 = arith.muli %mul3A_65, %mul3A_66 : i32
      %dma_wait3A_68 = arith.constant 0 : i32
      %dma_wait3A_69 = arith.constant 0 : i32
      %dma_wait3A_70 = tpu.memref_slice %arg9[%dma_wait3A_68, %dma_wait3A_69] : memref<224x128xf32, #tpu.memory_space<vmem>> -> memref<50x128xf32, #tpu.memory_space<vmem>>
      %dma_wait3A_71 = tpu.memref_slice %arg8[%mul3A_67] : memref<7168xi32, #tpu.memory_space<vmem>> -> memref<50xi32, #tpu.memory_space<vmem>>
      %dma_wait3A_72 = arith.constant 0 : i32
      %dma_wait3A_73 = arith.constant 0 : i32
      %dma_wait3A_74 = tpu.memref_slice %arg5[%dma_wait3A_72, %dma_wait3A_73] : memref<1024x128xf32, #tpu.memory_space<vmem_shared>> -> memref<1024x128xf32, #tpu.memory_space<vmem_shared>>
      tpu.wait_indirect_dma semaphore(%arg12 : memref<!tpu.dma_semaphore, #tpu.memory_space<semaphore_mem>>) src(%dma_wait3A_74 : memref<1024x128xf32, #tpu.memory_space<vmem_shared>>) dst(%dma_wait3A_70 : memref<50x128xf32, #tpu.memory_space<vmem>>)
      %mul3A_75 = arith.constant 4 : i32
      %mul3A_76 = arith.muli %mul3A_75, %mul3A_63 : i32
      %mul3A_77 = arith.constant 56 : i32
      %mul3A_78 = arith.muli %mul3A_76, %mul3A_77 : i32
      %dma_wait3A_79 = arith.constant 56 : i32
      %dma_wait3A_80 = arith.constant 0 : i32
      %dma_wait3A_81 = tpu.memref_slice %arg9[%dma_wait3A_79, %dma_wait3A_80] : memref<224x128xf32, #tpu.memory_space<vmem>> -> memref<50x128xf32, #tpu.memory_space<vmem>>
      %dma_wait3A_82 = tpu.memref_slice %arg8[%mul3A_78] : memref<7168xi32, #tpu.memory_space<vmem>> -> memref<50xi32, #tpu.memory_space<vmem>>
      %dma_wait3A_83 = arith.constant 0 : i32
      %dma_wait3A_84 = arith.constant 0 : i32
      %dma_wait3A_85 = tpu.memref_slice %arg5[%dma_wait3A_83, %dma_wait3A_84] : memref<1024x128xf32, #tpu.memory_space<vmem_shared>> -> memref<1024x128xf32, #tpu.memory_space<vmem_shared>>
      tpu.wait_indirect_dma semaphore(%arg12 : memref<!tpu.dma_semaphore, #tpu.memory_space<semaphore_mem>>) src(%dma_wait3A_85 : memref<1024x128xf32, #tpu.memory_space<vmem_shared>>) dst(%dma_wait3A_81 : memref<50x128xf32, #tpu.memory_space<vmem>>)
      %mul3A_86 = arith.constant 4 : i32
      %mul3A_87 = arith.muli %mul3A_86, %mul3A_63 : i32
      %mul3A_88 = arith.constant 56 : i32
      %mul3A_89 = arith.muli %mul3A_87, %mul3A_88 : i32
      %dma_wait3A_90 = arith.constant 112 : i32
      %dma_wait3A_91 = arith.constant 0 : i32
      %dma_wait3A_92 = tpu.memref_slice %arg9[%dma_wait3A_90, %dma_wait3A_91] : memref<224x128xf32, #tpu.memory_space<vmem>> -> memref<50x128xf32, #tpu.memory_space<vmem>>
      %dma_wait3A_93 = tpu.memref_slice %arg8[%mul3A_89] : memref<7168xi32, #tpu.memory_space<vmem>> -> memref<50xi32, #tpu.memory_space<vmem>>
      %dma_wait3A_94 = arith.constant 0 : i32
      %dma_wait3A_95 = arith.constant 0 : i32
      %dma_wait3A_96 = tpu.memref_slice %arg5[%dma_wait3A_94, %dma_wait3A_95] : memref<1024x128xf32, #tpu.memory_space<vmem_shared>> -> memref<1024x128xf32, #tpu.memory_space<vmem_shared>>
      tpu.wait_indirect_dma semaphore(%arg12 : memref<!tpu.dma_semaphore, #tpu.memory_space<semaphore_mem>>) src(%dma_wait3A_96 : memref<1024x128xf32, #tpu.memory_space<vmem_shared>>) dst(%dma_wait3A_92 : memref<50x128xf32, #tpu.memory_space<vmem>>)
      %mul3A_97 = arith.constant 4 : i32
      %mul3A_98 = arith.muli %mul3A_97, %mul3A_63 : i32
      %mul3A_99 = arith.constant 56 : i32
      %mul3A_100 = arith.muli %mul3A_98, %mul3A_99 : i32
      %dma_wait3A_101 = arith.constant 168 : i32
      %dma_wait3A_102 = arith.constant 0 : i32
      %dma_wait3A_103 = tpu.memref_slice %arg9[%dma_wait3A_101, %dma_wait3A_102] : memref<224x128xf32, #tpu.memory_space<vmem>> -> memref<50x128xf32, #tpu.memory_space<vmem>>
      %dma_wait3A_104 = tpu.memref_slice %arg8[%mul3A_100] : memref<7168xi32, #tpu.memory_space<vmem>> -> memref<50xi32, #tpu.memory_space<vmem>>
      %dma_wait3A_105 = arith.constant 0 : i32
      %dma_wait3A_106 = arith.constant 0 : i32
      %dma_wait3A_107 = tpu.memref_slice %arg5[%dma_wait3A_105, %dma_wait3A_106] : memref<1024x128xf32, #tpu.memory_space<vmem_shared>> -> memref<1024x128xf32, #tpu.memory_space<vmem_shared>>
      tpu.wait_indirect_dma semaphore(%arg12 : memref<!tpu.dma_semaphore, #tpu.memory_space<semaphore_mem>>) src(%dma_wait3A_107 : memref<1024x128xf32, #tpu.memory_space<vmem_shared>>) dst(%dma_wait3A_103 : memref<50x128xf32, #tpu.memory_space<vmem>>)
      %gt3A = arith.constant 0 : i32
      %gt3A_108 = arith.cmpi sgt, %mul3A_63, %gt3A : i32
      %convert_element_type3A = arith.extui %gt3A_108 : i1 to i32
      %cond3A = arith.constant 0 : i32
      %cond3A_109 = arith.cmpi ne, %convert_element_type3A, %cond3A : i32
      scf.if %cond3A_109 {
        %sub3A = arith.constant 1 : i32
        %sub3A_194 = arith.subi %mul3A_63, %sub3A : i32
        %mul3A_195 = arith.constant 4 : i32
        %mul3A_196 = arith.muli %mul3A_195, %sub3A_194 : i32
        %add3A_197 = arith.addi %mul3A_2, %mul3A_196 : i32
        %mul3A_198 = arith.constant 56 : i32
        %mul3A_199 = arith.muli %add3A_197, %mul3A_198 : i32
        %dma_wait3A_200 = arith.constant 0 : i32
        %dma_wait3A_201 = tpu.memref_slice %arg4[%mul3A_199, %dma_wait3A_200] : memref<229376x128xf32, #tpu.memory_space<hbm>> -> memref<224x128xf32, #tpu.memory_space<hbm>>
        %dma_wait3A_202 = arith.constant 0 : i32
        %dma_wait3A_203 = tpu.memref_slice %arg4[%mul3A_199, %dma_wait3A_202] : memref<229376x128xf32, #tpu.memory_space<hbm>> -> memref<224x128xf32, #tpu.memory_space<hbm>>
        tpu.wait_dma2 semaphore(%arg13 : memref<!tpu.dma_semaphore, #tpu.memory_space<semaphore_mem>>) src(%arg10 : memref<224x128xf32, #tpu.memory_space<vmem>>) dst(%dma_wait3A_203 : memref<224x128xf32, #tpu.memory_space<hbm>>)
      } else {
      }
      %add3A_110 = arith.constant 1 : i32
      %add3A_111 = arith.addi %mul3A_63, %add3A_110 : i32
      %lt3A = arith.constant 32 : i32
      %lt3A_112 = arith.cmpi slt, %add3A_111, %lt3A : i32
      %convert_element_type3A_113 = arith.extui %lt3A_112 : i1 to i32
      %cond3A_114 = arith.constant 0 : i32
      %cond3A_115 = arith.cmpi ne, %convert_element_type3A_113, %cond3A_114 : i32
      scf.if %cond3A_115 {
        %add3A_194 = arith.constant 1 : i32
        %add3A_195 = arith.addi %mul3A_63, %add3A_194 : i32
        %mul3A_196 = arith.constant 4 : i32
        %mul3A_197 = arith.muli %mul3A_196, %add3A_195 : i32
        %add3A_198 = arith.constant 0 : i32
        %add3A_199 = arith.addi %mul3A_197, %add3A_198 : i32
        %mul3A_200 = arith.constant 56 : i32
        %mul3A_201 = arith.muli %add3A_199, %mul3A_200 : i32
        %dma_start3A_202 = arith.constant 0 : i32
        %dma_start3A_203 = arith.constant 0 : i32
        %dma_start3A_204 = tpu.memref_slice %arg10[%dma_start3A_202, %dma_start3A_203] : memref<224x128xf32, #tpu.memory_space<vmem>> -> memref<50x128xf32, #tpu.memory_space<vmem>>
        %dma_start3A_205 = tpu.memref_slice %arg8[%mul3A_201] : memref<7168xi32, #tpu.memory_space<vmem>> -> memref<50xi32, #tpu.memory_space<vmem>>
        %dma_start3A_206 = arith.constant 0 : i32
        %dma_start3A_207 = arith.constant 0 : i32
        %dma_start3A_208 = tpu.memref_slice %arg5[%dma_start3A_206, %dma_start3A_207] : memref<1024x128xf32, #tpu.memory_space<vmem_shared>> -> memref<1024x128xf32, #tpu.memory_space<vmem_shared>>
        tpu.enqueue_indirect_dma source(%dma_start3A_208 : memref<1024x128xf32, #tpu.memory_space<vmem_shared>>) target(%dma_start3A_204 : memref<50x128xf32, #tpu.memory_space<vmem>>) offsets(%dma_start3A_205 : memref<50xi32, #tpu.memory_space<vmem>>) semaphore(%arg12 : memref<!tpu.dma_semaphore, #tpu.memory_space<semaphore_mem>>)
        %add3A_209 = arith.constant 1 : i32
        %add3A_210 = arith.addi %mul3A_63, %add3A_209 : i32
        %mul3A_211 = arith.constant 4 : i32
        %mul3A_212 = arith.muli %mul3A_211, %add3A_210 : i32
        %add3A_213 = arith.constant 1 : i32
        %add3A_214 = arith.addi %mul3A_212, %add3A_213 : i32
        %mul3A_215 = arith.constant 56 : i32
        %mul3A_216 = arith.muli %add3A_214, %mul3A_215 : i32
        %dma_start3A_217 = arith.constant 56 : i32
        %dma_start3A_218 = arith.constant 0 : i32
        %dma_start3A_219 = tpu.memref_slice %arg10[%dma_start3A_217, %dma_start3A_218] : memref<224x128xf32, #tpu.memory_space<vmem>> -> memref<50x128xf32, #tpu.memory_space<vmem>>
        %dma_start3A_220 = tpu.memref_slice %arg8[%mul3A_216] : memref<7168xi32, #tpu.memory_space<vmem>> -> memref<50xi32, #tpu.memory_space<vmem>>
        %dma_start3A_221 = arith.constant 0 : i32
        %dma_start3A_222 = arith.constant 0 : i32
        %dma_start3A_223 = tpu.memref_slice %arg5[%dma_start3A_221, %dma_start3A_222] : memref<1024x128xf32, #tpu.memory_space<vmem_shared>> -> memref<1024x128xf32, #tpu.memory_space<vmem_shared>>
        tpu.enqueue_indirect_dma source(%dma_start3A_223 : memref<1024x128xf32, #tpu.memory_space<vmem_shared>>) target(%dma_start3A_219 : memref<50x128xf32, #tpu.memory_space<vmem>>) offsets(%dma_start3A_220 : memref<50xi32, #tpu.memory_space<vmem>>) semaphore(%arg12 : memref<!tpu.dma_semaphore, #tpu.memory_space<semaphore_mem>>)
        %add3A_224 = arith.constant 1 : i32
        %add3A_225 = arith.addi %mul3A_63, %add3A_224 : i32
        %mul3A_226 = arith.constant 4 : i32
        %mul3A_227 = arith.muli %mul3A_226, %add3A_225 : i32
        %add3A_228 = arith.constant 2 : i32
        %add3A_229 = arith.addi %mul3A_227, %add3A_228 : i32
        %mul3A_230 = arith.constant 56 : i32
        %mul3A_231 = arith.muli %add3A_229, %mul3A_230 : i32
        %dma_start3A_232 = arith.constant 112 : i32
        %dma_start3A_233 = arith.constant 0 : i32
        %dma_start3A_234 = tpu.memref_slice %arg10[%dma_start3A_232, %dma_start3A_233] : memref<224x128xf32, #tpu.memory_space<vmem>> -> memref<50x128xf32, #tpu.memory_space<vmem>>
        %dma_start3A_235 = tpu.memref_slice %arg8[%mul3A_231] : memref<7168xi32, #tpu.memory_space<vmem>> -> memref<50xi32, #tpu.memory_space<vmem>>
        %dma_start3A_236 = arith.constant 0 : i32
        %dma_start3A_237 = arith.constant 0 : i32
        %dma_start3A_238 = tpu.memref_slice %arg5[%dma_start3A_236, %dma_start3A_237] : memref<1024x128xf32, #tpu.memory_space<vmem_shared>> -> memref<1024x128xf32, #tpu.memory_space<vmem_shared>>
        tpu.enqueue_indirect_dma source(%dma_start3A_238 : memref<1024x128xf32, #tpu.memory_space<vmem_shared>>) target(%dma_start3A_234 : memref<50x128xf32, #tpu.memory_space<vmem>>) offsets(%dma_start3A_235 : memref<50xi32, #tpu.memory_space<vmem>>) semaphore(%arg12 : memref<!tpu.dma_semaphore, #tpu.memory_space<semaphore_mem>>)
        %add3A_239 = arith.constant 1 : i32
        %add3A_240 = arith.addi %mul3A_63, %add3A_239 : i32
        %mul3A_241 = arith.constant 4 : i32
        %mul3A_242 = arith.muli %mul3A_241, %add3A_240 : i32
        %add3A_243 = arith.constant 3 : i32
        %add3A_244 = arith.addi %mul3A_242, %add3A_243 : i32
        %mul3A_245 = arith.constant 56 : i32
        %mul3A_246 = arith.muli %add3A_244, %mul3A_245 : i32
        %dma_start3A_247 = arith.constant 168 : i32
        %dma_start3A_248 = arith.constant 0 : i32
        %dma_start3A_249 = tpu.memref_slice %arg10[%dma_start3A_247, %dma_start3A_248] : memref<224x128xf32, #tpu.memory_space<vmem>> -> memref<50x128xf32, #tpu.memory_space<vmem>>
        %dma_start3A_250 = tpu.memref_slice %arg8[%mul3A_246] : memref<7168xi32, #tpu.memory_space<vmem>> -> memref<50xi32, #tpu.memory_space<vmem>>
        %dma_start3A_251 = arith.constant 0 : i32
        %dma_start3A_252 = arith.constant 0 : i32
        %dma_start3A_253 = tpu.memref_slice %arg5[%dma_start3A_251, %dma_start3A_252] : memref<1024x128xf32, #tpu.memory_space<vmem_shared>> -> memref<1024x128xf32, #tpu.memory_space<vmem_shared>>
        tpu.enqueue_indirect_dma source(%dma_start3A_253 : memref<1024x128xf32, #tpu.memory_space<vmem_shared>>) target(%dma_start3A_249 : memref<50x128xf32, #tpu.memory_space<vmem>>) offsets(%dma_start3A_250 : memref<50xi32, #tpu.memory_space<vmem>>) semaphore(%arg12 : memref<!tpu.dma_semaphore, #tpu.memory_space<semaphore_mem>>)
      } else {
      }
      %mul3A_116 = arith.constant 4 : i32
      %mul3A_117 = arith.muli %mul3A_116, %mul3A_63 : i32
      %add3A_118 = arith.addi %mul3A_2, %mul3A_117 : i32
      %mul3A_119 = arith.constant 56 : i32
      %mul3A_120 = arith.muli %add3A_118, %mul3A_119 : i32
      %dma_start3A_121 = arith.constant 0 : i32
      %dma_start3A_122 = tpu.memref_slice %arg4[%mul3A_120, %dma_start3A_121] : memref<229376x128xf32, #tpu.memory_space<hbm>> -> memref<224x128xf32, #tpu.memory_space<hbm>>
      %dma_start3A_123 = arith.constant 0 : i32
      %dma_start3A_124 = tpu.memref_slice %arg4[%mul3A_120, %dma_start3A_123] : memref<229376x128xf32, #tpu.memory_space<hbm>> -> memref<224x128xf32, #tpu.memory_space<hbm>>
      tpu.enqueue_dma source(%arg9 : memref<224x128xf32, #tpu.memory_space<vmem>>) target(%dma_start3A_124 : memref<224x128xf32, #tpu.memory_space<hbm>>) target_semaphore(%arg13 : memref<!tpu.dma_semaphore, #tpu.memory_space<semaphore_mem>>)
      %mul3A_125 = arith.constant 2 : i32
      %mul3A_126 = arith.muli %mul3A_125, %scan3A_61 : i32
      %add3A_127 = arith.constant 1 : i32
      %add3A_128 = arith.addi %mul3A_126, %add3A_127 : i32
      %mul3A_129 = arith.constant 4 : i32
      %mul3A_130 = arith.muli %mul3A_129, %add3A_128 : i32
      %mul3A_131 = arith.constant 56 : i32
      %mul3A_132 = arith.muli %mul3A_130, %mul3A_131 : i32
      %dma_wait3A_133 = arith.constant 0 : i32
      %dma_wait3A_134 = arith.constant 0 : i32
      %dma_wait3A_135 = tpu.memref_slice %arg10[%dma_wait3A_133, %dma_wait3A_134] : memref<224x128xf32, #tpu.memory_space<vmem>> -> memref<50x128xf32, #tpu.memory_space<vmem>>
      %dma_wait3A_136 = tpu.memref_slice %arg8[%mul3A_132] : memref<7168xi32, #tpu.memory_space<vmem>> -> memref<50xi32, #tpu.memory_space<vmem>>
      %dma_wait3A_137 = arith.constant 0 : i32
      %dma_wait3A_138 = arith.constant 0 : i32
      %dma_wait3A_139 = tpu.memref_slice %arg5[%dma_wait3A_137, %dma_wait3A_138] : memref<1024x128xf32, #tpu.memory_space<vmem_shared>> -> memref<1024x128xf32, #tpu.memory_space<vmem_shared>>
      tpu.wait_indirect_dma semaphore(%arg12 : memref<!tpu.dma_semaphore, #tpu.memory_space<semaphore_mem>>) src(%dma_wait3A_139 : memref<1024x128xf32, #tpu.memory_space<vmem_shared>>) dst(%dma_wait3A_135 : memref<50x128xf32, #tpu.memory_space<vmem>>)
      %mul3A_140 = arith.constant 4 : i32
      %mul3A_141 = arith.muli %mul3A_140, %add3A_128 : i32
      %mul3A_142 = arith.constant 56 : i32
      %mul3A_143 = arith.muli %mul3A_141, %mul3A_142 : i32
      %dma_wait3A_144 = arith.constant 56 : i32
      %dma_wait3A_145 = arith.constant 0 : i32
      %dma_wait3A_146 = tpu.memref_slice %arg10[%dma_wait3A_144, %dma_wait3A_145] : memref<224x128xf32, #tpu.memory_space<vmem>> -> memref<50x128xf32, #tpu.memory_space<vmem>>
      %dma_wait3A_147 = tpu.memref_slice %arg8[%mul3A_143] : memref<7168xi32, #tpu.memory_space<vmem>> -> memref<50xi32, #tpu.memory_space<vmem>>
      %dma_wait3A_148 = arith.constant 0 : i32
      %dma_wait3A_149 = arith.constant 0 : i32
      %dma_wait3A_150 = tpu.memref_slice %arg5[%dma_wait3A_148, %dma_wait3A_149] : memref<1024x128xf32, #tpu.memory_space<vmem_shared>> -> memref<1024x128xf32, #tpu.memory_space<vmem_shared>>
      tpu.wait_indirect_dma semaphore(%arg12 : memref<!tpu.dma_semaphore, #tpu.memory_space<semaphore_mem>>) src(%dma_wait3A_150 : memref<1024x128xf32, #tpu.memory_space<vmem_shared>>) dst(%dma_wait3A_146 : memref<50x128xf32, #tpu.memory_space<vmem>>)
      %mul3A_151 = arith.constant 4 : i32
      %mul3A_152 = arith.muli %mul3A_151, %add3A_128 : i32
      %mul3A_153 = arith.constant 56 : i32
      %mul3A_154 = arith.muli %mul3A_152, %mul3A_153 : i32
      %dma_wait3A_155 = arith.constant 112 : i32
      %dma_wait3A_156 = arith.constant 0 : i32
      %dma_wait3A_157 = tpu.memref_slice %arg10[%dma_wait3A_155, %dma_wait3A_156] : memref<224x128xf32, #tpu.memory_space<vmem>> -> memref<50x128xf32, #tpu.memory_space<vmem>>
      %dma_wait3A_158 = tpu.memref_slice %arg8[%mul3A_154] : memref<7168xi32, #tpu.memory_space<vmem>> -> memref<50xi32, #tpu.memory_space<vmem>>
      %dma_wait3A_159 = arith.constant 0 : i32
      %dma_wait3A_160 = arith.constant 0 : i32
      %dma_wait3A_161 = tpu.memref_slice %arg5[%dma_wait3A_159, %dma_wait3A_160] : memref<1024x128xf32, #tpu.memory_space<vmem_shared>> -> memref<1024x128xf32, #tpu.memory_space<vmem_shared>>
      tpu.wait_indirect_dma semaphore(%arg12 : memref<!tpu.dma_semaphore, #tpu.memory_space<semaphore_mem>>) src(%dma_wait3A_161 : memref<1024x128xf32, #tpu.memory_space<vmem_shared>>) dst(%dma_wait3A_157 : memref<50x128xf32, #tpu.memory_space<vmem>>)
      %mul3A_162 = arith.constant 4 : i32
      %mul3A_163 = arith.muli %mul3A_162, %add3A_128 : i32
      %mul3A_164 = arith.constant 56 : i32
      %mul3A_165 = arith.muli %mul3A_163, %mul3A_164 : i32
      %dma_wait3A_166 = arith.constant 168 : i32
      %dma_wait3A_167 = arith.constant 0 : i32
      %dma_wait3A_168 = tpu.memref_slice %arg10[%dma_wait3A_166, %dma_wait3A_167] : memref<224x128xf32, #tpu.memory_space<vmem>> -> memref<50x128xf32, #tpu.memory_space<vmem>>
      %dma_wait3A_169 = tpu.memref_slice %arg8[%mul3A_165] : memref<7168xi32, #tpu.memory_space<vmem>> -> memref<50xi32, #tpu.memory_space<vmem>>
      %dma_wait3A_170 = arith.constant 0 : i32
      %dma_wait3A_171 = arith.constant 0 : i32
      %dma_wait3A_172 = tpu.memref_slice %arg5[%dma_wait3A_170, %dma_wait3A_171] : memref<1024x128xf32, #tpu.memory_space<vmem_shared>> -> memref<1024x128xf32, #tpu.memory_space<vmem_shared>>
      tpu.wait_indirect_dma semaphore(%arg12 : memref<!tpu.dma_semaphore, #tpu.memory_space<semaphore_mem>>) src(%dma_wait3A_172 : memref<1024x128xf32, #tpu.memory_space<vmem_shared>>) dst(%dma_wait3A_168 : memref<50x128xf32, #tpu.memory_space<vmem>>)
      %gt3A_173 = arith.constant 0 : i32
      %gt3A_174 = arith.cmpi sgt, %add3A_128, %gt3A_173 : i32
      %convert_element_type3A_175 = arith.extui %gt3A_174 : i1 to i32
      %cond3A_176 = arith.constant 0 : i32
      %cond3A_177 = arith.cmpi ne, %convert_element_type3A_175, %cond3A_176 : i32
      scf.if %cond3A_177 {
        %sub3A = arith.constant 1 : i32
        %sub3A_194 = arith.subi %add3A_128, %sub3A : i32
        %mul3A_195 = arith.constant 4 : i32
        %mul3A_196 = arith.muli %mul3A_195, %sub3A_194 : i32
        %add3A_197 = arith.addi %mul3A_2, %mul3A_196 : i32
        %mul3A_198 = arith.constant 56 : i32
        %mul3A_199 = arith.muli %add3A_197, %mul3A_198 : i32
        %dma_wait3A_200 = arith.constant 0 : i32
        %dma_wait3A_201 = tpu.memref_slice %arg4[%mul3A_199, %dma_wait3A_200] : memref<229376x128xf32, #tpu.memory_space<hbm>> -> memref<224x128xf32, #tpu.memory_space<hbm>>
        %dma_wait3A_202 = arith.constant 0 : i32
        %dma_wait3A_203 = tpu.memref_slice %arg4[%mul3A_199, %dma_wait3A_202] : memref<229376x128xf32, #tpu.memory_space<hbm>> -> memref<224x128xf32, #tpu.memory_space<hbm>>
        tpu.wait_dma2 semaphore(%arg13 : memref<!tpu.dma_semaphore, #tpu.memory_space<semaphore_mem>>) src(%arg9 : memref<224x128xf32, #tpu.memory_space<vmem>>) dst(%dma_wait3A_203 : memref<224x128xf32, #tpu.memory_space<hbm>>)
      } else {
      }
      %add3A_178 = arith.constant 1 : i32
      %add3A_179 = arith.addi %add3A_128, %add3A_178 : i32
      %lt3A_180 = arith.constant 32 : i32
      %lt3A_181 = arith.cmpi slt, %add3A_179, %lt3A_180 : i32
      %convert_element_type3A_182 = arith.extui %lt3A_181 : i1 to i32
      %cond3A_183 = arith.constant 0 : i32
      %cond3A_184 = arith.cmpi ne, %convert_element_type3A_182, %cond3A_183 : i32
      scf.if %cond3A_184 {
        %add3A_194 = arith.constant 1 : i32
        %add3A_195 = arith.addi %add3A_128, %add3A_194 : i32
        %mul3A_196 = arith.constant 4 : i32
        %mul3A_197 = arith.muli %mul3A_196, %add3A_195 : i32
        %add3A_198 = arith.constant 0 : i32
        %add3A_199 = arith.addi %mul3A_197, %add3A_198 : i32
        %mul3A_200 = arith.constant 56 : i32
        %mul3A_201 = arith.muli %add3A_199, %mul3A_200 : i32
        %dma_start3A_202 = arith.constant 0 : i32
        %dma_start3A_203 = arith.constant 0 : i32
        %dma_start3A_204 = tpu.memref_slice %arg9[%dma_start3A_202, %dma_start3A_203] : memref<224x128xf32, #tpu.memory_space<vmem>> -> memref<50x128xf32, #tpu.memory_space<vmem>>
        %dma_start3A_205 = tpu.memref_slice %arg8[%mul3A_201] : memref<7168xi32, #tpu.memory_space<vmem>> -> memref<50xi32, #tpu.memory_space<vmem>>
        %dma_start3A_206 = arith.constant 0 : i32
        %dma_start3A_207 = arith.constant 0 : i32
        %dma_start3A_208 = tpu.memref_slice %arg5[%dma_start3A_206, %dma_start3A_207] : memref<1024x128xf32, #tpu.memory_space<vmem_shared>> -> memref<1024x128xf32, #tpu.memory_space<vmem_shared>>
        tpu.enqueue_indirect_dma source(%dma_start3A_208 : memref<1024x128xf32, #tpu.memory_space<vmem_shared>>) target(%dma_start3A_204 : memref<50x128xf32, #tpu.memory_space<vmem>>) offsets(%dma_start3A_205 : memref<50xi32, #tpu.memory_space<vmem>>) semaphore(%arg12 : memref<!tpu.dma_semaphore, #tpu.memory_space<semaphore_mem>>)
        %add3A_209 = arith.constant 1 : i32
        %add3A_210 = arith.addi %add3A_128, %add3A_209 : i32
        %mul3A_211 = arith.constant 4 : i32
        %mul3A_212 = arith.muli %mul3A_211, %add3A_210 : i32
        %add3A_213 = arith.constant 1 : i32
        %add3A_214 = arith.addi %mul3A_212, %add3A_213 : i32
        %mul3A_215 = arith.constant 56 : i32
        %mul3A_216 = arith.muli %add3A_214, %mul3A_215 : i32
        %dma_start3A_217 = arith.constant 56 : i32
        %dma_start3A_218 = arith.constant 0 : i32
        %dma_start3A_219 = tpu.memref_slice %arg9[%dma_start3A_217, %dma_start3A_218] : memref<224x128xf32, #tpu.memory_space<vmem>> -> memref<50x128xf32, #tpu.memory_space<vmem>>
        %dma_start3A_220 = tpu.memref_slice %arg8[%mul3A_216] : memref<7168xi32, #tpu.memory_space<vmem>> -> memref<50xi32, #tpu.memory_space<vmem>>
        %dma_start3A_221 = arith.constant 0 : i32
        %dma_start3A_222 = arith.constant 0 : i32
        %dma_start3A_223 = tpu.memref_slice %arg5[%dma_start3A_221, %dma_start3A_222] : memref<1024x128xf32, #tpu.memory_space<vmem_shared>> -> memref<1024x128xf32, #tpu.memory_space<vmem_shared>>
        tpu.enqueue_indirect_dma source(%dma_start3A_223 : memref<1024x128xf32, #tpu.memory_space<vmem_shared>>) target(%dma_start3A_219 : memref<50x128xf32, #tpu.memory_space<vmem>>) offsets(%dma_start3A_220 : memref<50xi32, #tpu.memory_space<vmem>>) semaphore(%arg12 : memref<!tpu.dma_semaphore, #tpu.memory_space<semaphore_mem>>)
        %add3A_224 = arith.constant 1 : i32
        %add3A_225 = arith.addi %add3A_128, %add3A_224 : i32
        %mul3A_226 = arith.constant 4 : i32
        %mul3A_227 = arith.muli %mul3A_226, %add3A_225 : i32
        %add3A_228 = arith.constant 2 : i32
        %add3A_229 = arith.addi %mul3A_227, %add3A_228 : i32
        %mul3A_230 = arith.constant 56 : i32
        %mul3A_231 = arith.muli %add3A_229, %mul3A_230 : i32
        %dma_start3A_232 = arith.constant 112 : i32
        %dma_start3A_233 = arith.constant 0 : i32
        %dma_start3A_234 = tpu.memref_slice %arg9[%dma_start3A_232, %dma_start3A_233] : memref<224x128xf32, #tpu.memory_space<vmem>> -> memref<50x128xf32, #tpu.memory_space<vmem>>
        %dma_start3A_235 = tpu.memref_slice %arg8[%mul3A_231] : memref<7168xi32, #tpu.memory_space<vmem>> -> memref<50xi32, #tpu.memory_space<vmem>>
        %dma_start3A_236 = arith.constant 0 : i32
        %dma_start3A_237 = arith.constant 0 : i32
        %dma_start3A_238 = tpu.memref_slice %arg5[%dma_start3A_236, %dma_start3A_237] : memref<1024x128xf32, #tpu.memory_space<vmem_shared>> -> memref<1024x128xf32, #tpu.memory_space<vmem_shared>>
        tpu.enqueue_indirect_dma source(%dma_start3A_238 : memref<1024x128xf32, #tpu.memory_space<vmem_shared>>) target(%dma_start3A_234 : memref<50x128xf32, #tpu.memory_space<vmem>>) offsets(%dma_start3A_235 : memref<50xi32, #tpu.memory_space<vmem>>) semaphore(%arg12 : memref<!tpu.dma_semaphore, #tpu.memory_space<semaphore_mem>>)
        %add3A_239 = arith.constant 1 : i32
        %add3A_240 = arith.addi %add3A_128, %add3A_239 : i32
        %mul3A_241 = arith.constant 4 : i32
        %mul3A_242 = arith.muli %mul3A_241, %add3A_240 : i32
        %add3A_243 = arith.constant 3 : i32
        %add3A_244 = arith.addi %mul3A_242, %add3A_243 : i32
        %mul3A_245 = arith.constant 56 : i32
        %mul3A_246 = arith.muli %add3A_244, %mul3A_245 : i32
        %dma_start3A_247 = arith.constant 168 : i32
        %dma_start3A_248 = arith.constant 0 : i32
        %dma_start3A_249 = tpu.memref_slice %arg9[%dma_start3A_247, %dma_start3A_248] : memref<224x128xf32, #tpu.memory_space<vmem>> -> memref<50x128xf32, #tpu.memory_space<vmem>>
        %dma_start3A_250 = tpu.memref_slice %arg8[%mul3A_246] : memref<7168xi32, #tpu.memory_space<vmem>> -> memref<50xi32, #tpu.memory_space<vmem>>
        %dma_start3A_251 = arith.constant 0 : i32
        %dma_start3A_252 = arith.constant 0 : i32
        %dma_start3A_253 = tpu.memref_slice %arg5[%dma_start3A_251, %dma_start3A_252] : memref<1024x128xf32, #tpu.memory_space<vmem_shared>> -> memref<1024x128xf32, #tpu.memory_space<vmem_shared>>
        tpu.enqueue_indirect_dma source(%dma_start3A_253 : memref<1024x128xf32, #tpu.memory_space<vmem_shared>>) target(%dma_start3A_249 : memref<50x128xf32, #tpu.memory_space<vmem>>) offsets(%dma_start3A_250 : memref<50xi32, #tpu.memory_space<vmem>>) semaphore(%arg12 : memref<!tpu.dma_semaphore, #tpu.memory_space<semaphore_mem>>)
      } else {
      }
      %mul3A_185 = arith.constant 4 : i32
      %mul3A_186 = arith.muli %mul3A_185, %add3A_128 : i32
      %add3A_187 = arith.addi %mul3A_2, %mul3A_186 : i32
      %mul3A_188 = arith.constant 56 : i32
      %mul3A_189 = arith.muli %add3A_187, %mul3A_188 : i32
      %dma_start3A_190 = arith.constant 0 : i32
      %dma_start3A_191 = tpu.memref_slice %arg4[%mul3A_189, %dma_start3A_190] : memref<229376x128xf32, #tpu.memory_space<hbm>> -> memref<224x128xf32, #tpu.memory_space<hbm>>
      %dma_start3A_192 = arith.constant 0 : i32
      %dma_start3A_193 = tpu.memref_slice %arg4[%mul3A_189, %dma_start3A_192] : memref<229376x128xf32, #tpu.memory_space<hbm>> -> memref<224x128xf32, #tpu.memory_space<hbm>>
      tpu.enqueue_dma source(%arg10 : memref<224x128xf32, #tpu.memory_space<vmem>>) target(%dma_start3A_193 : memref<224x128xf32, #tpu.memory_space<hbm>>) target_semaphore(%arg13 : memref<!tpu.dma_semaphore, #tpu.memory_space<semaphore_mem>>)
    }
    %scan3A_52 = arith.constant 16 : i32
    %add3A_53 = arith.constant 124 : i32
    %add3A_54 = arith.addi %mul3A_2, %add3A_53 : i32
    %mul3A_55 = arith.constant 56 : i32
    %mul3A_56 = arith.muli %add3A_54, %mul3A_55 : i32
    %dma_wait3A_57 = arith.constant 0 : i32
    %dma_wait3A_58 = tpu.memref_slice %arg4[%mul3A_56, %dma_wait3A_57] : memref<229376x128xf32, #tpu.memory_space<hbm>> -> memref<224x128xf32, #tpu.memory_space<hbm>>
    %dma_wait3A_59 = arith.constant 0 : i32
    %dma_wait3A_60 = tpu.memref_slice %arg4[%mul3A_56, %dma_wait3A_59] : memref<229376x128xf32, #tpu.memory_space<hbm>> -> memref<224x128xf32, #tpu.memory_space<hbm>>
    tpu.wait_dma2 semaphore(%arg13 : memref<!tpu.dma_semaphore, #tpu.memory_space<semaphore_mem>>) src(%arg10 : memref<224x128xf32, #tpu.memory_space<vmem>>) dst(%dma_wait3A_60 : memref<224x128xf32, #tpu.memory_space<hbm>>)
    return
  }
}

</mosaic_0001>

<sc_bundles>
// kernel: kernel.3.cloned.1.call-start
scs
__scs_entry_jumppad:
0x0: {  	(pc) =	sbr.rel $0x88, $3  }
0x1: {  	(tag) =	ssettag $0x0;
	lr =	simm.s32 $0x1  }
0x2: {  	[smem:$0x3F9F] =	sst lr;
	_ =	strace $0xD0000000  }
0x3: {  	_ = 	snop  }
0x4: {  	_ = 	snop  }
0x5: {  	_ = 	snop  }
0x6: {  	_ = 	snop  }
0x7: {  	_ = 	snop  }
__scs_overlays_trampoline_lowered:
0x8: {  	[smem:$0x3FAE] =	sst s0  }
0x9: {  	[smem:$0x3FAF] =	sst s1  }
0xa: {  	[smem:$0x3FB0] =	sst s2  }
0xb: {  	[smem:$0x3FB1] =	sst s3  }
0xc: {  	[smem:$0x3FB2] =	sst s4  }
0xd: {  	[smem:$0x3FB3] =	sst s5  }
0xe: {  	[smem:$0x3FB4] =	sst s6  }
0xf: {  	[smem:$0x3FB5] =	sst s7  }
0x10: {  	[smem:$0x3FB6] =	sst s8  }
0x11: {  	[smem:$0x3FB7] =	sst s9;
	s0 =	simm.s32 @!p0 $0x0  }
0x12: {  	s1 =	sld [smem:$0x3F9D];
	s0 =	simm.s32 @p0 $0x1  }
0x13: {  	[smem:$0x3FB8] =	sst s0;
	s0 =	simm.s32 @!p1 $0x0  }
0x14: {  	s2 =	sld [smem:$0x3F9C];
	s0 =	simm.s32 @p1 $0x1  }
0x15: {  	[smem:$0x3FB9] =	sst s0;
	s0 =	simm.s32 @!p2 $0x0  }
0x16: {  	s3 =	sld [smem:$0x3FDB];
	s0 =	simm.s32 @p2 $0x1  }
0x17: {  	s4 =	simm.s32 $0x1BF5;
	[smem:$0x3FBB] =	sst s0  }
0x18: {  	s0 =	sld [smem:$0x3F9E];
	_ =	swait.ge [sflag:s4], $0x0  }
0x19: {  	s7 =	sld [smem:$0x3F9F]  }
0x1a: {  	s8 =	sadd.s32 $0xFFFFE003, lr  }
0x1b: {  	s9 =	sadd.s32 $0xFFFFFEF7, lr;
	s5 =	simm.s32 $0xFFFFFFFF;
	p2 =	slt.u32 s8, $0xFFFFF086  }
0x1c: {  	p1 =	slt.u32 s9, $0xF7A;
	s5 =	simm.s32 @!p2 $0x0  }
0x1d: {  	s5 =	simm.s32 @p1 $0x1;
	p0 =	seq.s32 s7, s2  }
0x1e: {  	s7 =	smul.u32 @!p0 $0xF7A, s2;
	p2 =	seq.s32 @!p0 s5, $0x0  }
0x1f: {  	s9 =	smul.u32 $0xF7A, s1;
	s8 =	simm.s32 @!p0 $0x1BF5;
	p2 =	por !p2, p0  }
0x20: {  	[sflag:s8] =	ssyncset.s32 @!p0 $0xFFFFF086;
	s6 =	sadd.s32 @!p0 s3, s7;
	s7 =	simm.s32 @!p0 $0x108  }
0x21: {  	s3 =	sadd.s32 s3, s9;
	s6 =	sadd.s32 @!p0 $0x88, s6;
	s7 =	simm.s32 @p2 $0x1082  }
0x22: {  	[simem:s7], [sflag:s8] =	dma.local @!p0 [hbm:s6], $0xF7A  }
0x23: {  	s9 =	sor.u32 $0xD0000000, s2;
	s6 =	simm.s32 $0x108;
	_ =	swait.ge @!p0 [sflag:s8], $0x0  }
0x24: {  	s3 =	sadd.s32 $0x88, s3;
	s6 =	simm.s32 @!p1 $0x1082;
	[sflag:s4] =	ssyncset.s32 $0xFFFFF086  }
0x25: {  	[simem:s6], [sflag:s4] =	dma.local [hbm:s3], $0xF7A  }
0x26: {  	[smem:$0x3F9F] =	sst s1;
	(tag) =	ssettag s2;
	_ =	strace s9  }
0x27: {  	s1 =	sld [smem:$0x3FAF]  }
0x28: {  	s2 =	sld [smem:$0x3FB0]  }
0x29: {  	s4 =	sld [smem:$0x3FB2]  }
0x2a: {  	p0 =	seq.s32 s5, $0x0;
	s5 =	sld [smem:$0x3FB3]  }
0x2b: {  	s6 =	sld [smem:$0x3FB4]  }
0x2c: {  	s7 =	sld [smem:$0x3FB5]  }
0x2d: {  	s3 =	simm.s32 $0x108;
	s8 =	sld [smem:$0x3FB6]  }
0x2e: {  	s3 =	simm.s32 @!p0 $0x1082;
	s9 =	sld [smem:$0x3FB7]  }
0x2f: {  	lr =	sadd.s32 s0, s3;
	s0 =	sld [smem:$0x3FAE]  }
0x30: {  	s3 =	sld [smem:$0x3FB1]  }
0x31: {  	[smem:$0x3FBA] =	sst s10  }
0x32: {  	s10 =	sld [smem:$0x3FB8];
	_ =	sdelay $0x3  }
0x33: {  	p0 =	seq.s32 s10, $0x1;
	s10 =	sld [smem:$0x3FBA];
	_ =	sdelay $0x3  }
0x34: {  	[smem:$0x3FBA] =	sst s10  }
0x35: {  	s10 =	sld [smem:$0x3FB9];
	_ =	sdelay $0x3  }
0x36: {  	p1 =	seq.s32 s10, $0x1;
	s10 =	sld [smem:$0x3FBA];
	_ =	sdelay $0x3  }
0x37: {  	[smem:$0x3FBA] =	sst s10  }
0x38: {  	s10 =	sld [smem:$0x3FBB]  }
0x39: {  	_ = 	snop;
	(pc) =	sbr.ind lr, $3  }
0x3a: {  	_ = 	snop  }
0x3b: {  	_ = 	snop  }
0x3c: {  	p2 =	seq.s32 s10, $0x1;
	s10 =	sld [smem:$0x3FBA]  }
0x3d: {  	_ =	shalt  }
0x3e: {  	_ =	shalt  }
0x3f: {  	_ =	shalt  }
0x40: {  	_ =	shalt  }
0x41: {  	_ =	shalt  }
0x42: {  	_ =	shalt  }
0x43: {  	_ =	shalt  }
0x44: {  	_ =	shalt  }
0x45: {  	_ =	shalt  }
0x46: {  	_ =	shalt  }
0x47: {  	_ =	shalt  }
0x48: {  	_ =	shalt  }
0x49: {  	_ =	shalt  }
0x4a: {  	_ =	shalt  }
0x4b: {  	_ =	shalt  }
0x4c: {  	_ =	shalt  }
0x4d: {  	_ =	shalt  }
0x4e: {  	_ =	shalt  }
0x4f: {  	_ =	shalt  }
0x50: {  	_ =	shalt  }
0x51: {  	_ =	shalt  }
0x52: {  	_ =	shalt  }
0x53: {  	_ =	shalt  }
0x54: {  	_ =	shalt  }
0x55: {  	_ =	shalt  }
0x56: {  	_ =	shalt  }
0x57: {  	_ =	shalt  }
0x58: {  	_ =	shalt  }
0x59: {  	_ =	shalt  }
0x5a: {  	_ =	shalt  }
0x5b: {  	_ =	shalt  }
0x5c: {  	_ =	shalt  }
0x5d: {  	_ =	shalt  }
0x5e: {  	_ =	shalt  }
0x5f: {  	_ =	shalt  }
0x60: {  	_ =	shalt  }
0x61: {  	_ =	shalt  }
0x62: {  	_ =	shalt  }
0x63: {  	_ =	shalt  }
0x64: {  	_ =	shalt  }
0x65: {  	_ =	shalt  }
0x66: {  	_ =	shalt  }
0x67: {  	_ =	shalt  }
0x68: {  	_ =	shalt  }
0x69: {  	_ =	shalt  }
0x6a: {  	_ =	shalt  }
0x6b: {  	_ =	shalt  }
0x6c: {  	_ =	shalt  }
0x6d: {  	_ =	shalt  }
0x6e: {  	_ =	shalt  }
0x6f: {  	_ =	shalt  }
0x70: {  	_ =	shalt  }
0x71: {  	_ =	shalt  }
0x72: {  	_ =	shalt  }
0x73: {  	_ =	shalt  }
0x74: {  	_ =	shalt  }
0x75: {  	_ =	shalt  }
0x76: {  	_ =	shalt  }
0x77: {  	_ =	shalt  }
0x78: {  	_ =	shalt  }
0x79: {  	_ =	shalt  }
0x7a: {  	_ =	shalt  }
0x7b: {  	_ =	shalt  }
0x7c: {  	_ =	shalt  }
0x7d: {  	_ =	shalt  }
0x7e: {  	_ =	shalt  }
0x7f: {  	_ =	shalt  }
0x80: {  	_ =	shalt  }
0x81: {  	_ =	shalt  }
0x82: {  	_ =	shalt  }
0x83: {  	_ =	shalt  }
0x84: {  	_ =	shalt  }
0x85: {  	_ =	shalt  }
0x86: {  	_ =	shalt  }
0x87: {  	_ =	shalt  }
.Lfunc_end0:
.L_simem_size_0:
called_computation.1_lowered:
.L_overlay_start_0:
0x88: {  	s2 =	sld [smem:$0x3FD9]  }
0x89: {  	s3 =	sld [smem:$0x3FFE];
	_ =	sdelay $0x1  }
0x8a: {  	s1 =	srdreg.scid  }
0x8b: {  	s0 =	sand.u32 $0x1, s1  }
0x8c: {  	s17 =	sshll.u32 s0, $0xA;
	s2 =	sadd.s32 s3, s2  }
0x8d: {  	s2 =	sadd.s32 s2, s17  }
0x8e: {  	[smem:$0x3FC6] =	sst s2  }
0x8f: {  	_ = 	snop  }
0x90: {  	s2 =	sld [smem:$0x3FD0];
	(tm) =	ssettm $0x1  }
0x91: {  	s18 =	sld [smem:$0x3FFB];
	_ =	sdelay $0x3  }
0x92: {  	_ =	strace s18  }
0x93: {  	s3 =	sld [smem:$0x3FFC];
	_ =	sdelay $0x3  }
0x94: {  	_ =	strace s3  }
0x95: {  	s3 =	sld [smem:$0x3FFD];
	_ =	sdelay $0x3  }
0x96: {  	_ =	strace s3  }
0x97: {  	_ =	strace $0x8FFFFFFF  }
0x98: {  	s19 =	sld [smem:$0x3FDB];
	_ =	sdelay $0x1  }
0x99: {  	s4 =	simm.s32 $_scs_section_size  }
0x9a: {  	s5 =	simm.s32 $_size__tile_overlayer_lowered;
	s6 =	simm.s32 $_tile_overlayer_lowered  }
0x9b: {  	s22 =	simm.s32 $0x1BFF;
	s21 =	sshll.u32 s6, $0x1;
	s3 =	sadd.s32 s4, s19  }
0x9c: {  	s7 =	simm.s32 $0x0;
	s20 =	sshll.u32 s5, $0x1;
	s5 =	sadd.s32 s21, s3  }
0x9d: {  	[timem:s7], [sflag:s22] =	dma.local [hbm:s5], s20  }
0x9e: {  	_ =	swait.ge [sflag:s22], s20  }
0x9f: {  	s4 =	ssub.s32 $0x0, s20;
	[sflag:s22] =	ssyncset.done $0x0  }
0xa0: {  	[sflag:s22] =	ssyncadd.s32 s4;
	_ =	sdelay $0x1  }
0xa1: {  	s23 =	simm.s32 $0x1B8B  }
0xa2: {  	_ =	swait.ge [sflag:s23], $0x1  }
0xa3: {  	[sflag:s23] =	ssyncset.done $0x0  }
0xa4: {  	s25 =	simm.s32 $0x1B8E;
	s24 =	sld [smem:$0x3FFE];
	[sflag:s23] =	ssyncadd.s32 $0xFFFFFFFF  }
0xa5: {  	s26 =	simm.s32 $execute0_lowered;
	[smem:$0x3FD2] =	sst s25  }
0xa6: {  	s5 =	sshll.u32 s26, $0x1;
	_ =	strace $0x80000046;
	[dreg:$0x1] =	wrdreg $0xFFFFFFFF  }
0xa7: {  	s28 =	simm.s32 $_size_execute0_lowered;
	s3 =	sadd.s32 s3, s5;
	[dreg:$0x0] =	wrdreg $0x0  }
0xa8: {  	s5 =	sshll.u32 s28, $0x1;
	[dreg:$0x2] =	wrdreg s3  }
0xa9: {  	[dreg:$0x3] =	wrdreg s5  }
0xaa: {  	[dreg:$0x4] =	wrdreg $0xC0  }
0xab: {  	_ =	task [dreg:s7], $0x5FFFF  }
0xac: {  	[dreg:$0x1] =	wrdreg $0xFFFFFFFF  }
0xad: {  	[dreg:$0x0] =	wrdreg $0x60  }
0xae: {  	[dreg:$0x2] =	wrdreg s2  }
0xaf: {  	[dreg:$0x3] =	wrdreg s24  }
0xb0: {  	[dreg:$0x4] =	wrdreg $0x0  }
0xb1: {  	[dreg:$0x5] =	wrdreg $0x9  }
0xb2: {  	_ =	task.clear_ibuf [dreg:s7], $0x6FFFF;
	_ =	strace $0x90000046  }
0xb3: {  	s29 =	simm.s32 $0x9;
	_ =	strace $0x80000048  }
0xb4: {  	_ =	swait.ge [sflag:s29], $0x1  }
0xb5: {  	[sflag:s29] =	ssyncadd.s32 $0xFFFFFFFF  }
0xb6: {  	_ =	strace $0x90000048  }
0xb7: {  	_ =	sfence  }
0xb8: {  	s30 =	sld [smem:$0x0];
	_ =	sdelay $0x2  }
0xb9: {  	s31 =	sshll.u32 s1, $0xD;
	s1 =	sshrl.u32 s1, $0x2  }
0xba: {  	s3 =	sand.u32 $0x4000, s31;
	s1 =	sadd.s32 s1, s30  }
0xbb: {  	s0 =	sor.u32 s3, s0;
	s1 =	sshll.u32 s1, $0x11  }
0xbc: {  	s0 =	sor.u32 s1, s0  }
0xbd: {  	s0 =	sadd.s32 $0x8F2B, s0  }
0xbe: {  	[sflag:s0] =	ssyncadd.remote.s32 $0x1  }
0xbf: {  	_ =	sfence.sel $0xFFFF  }
0xc0: {  	[dreg:$0x0] =	wrdreg $0xFFFFFFFF;
	(pc) =	sbr.abs _section_cstart, $3  }
0xc1: {  	[dreg:$0x1] =	wrdreg $0xFFFFFFFF  }
0xc2: {  	_ =	task.clear_ibuf [dreg:s7], $0x2FFFF;
	_ =	strace $0x9FFFFFFF  }
0xc3: {  	(tm) =	ssettm $0x7FFFFFFF  }
tec
execute0_lowered:
.L_overlay_start_1:
0x0: {  	(tag) =	ssettag $0x1  }
0x1: {  	s0 =	rddreg [dreg:$0x0]  }
0x2: {  	s2 =	rddreg [dreg:$0x1]  }
0x3: {  	s1 =	rddreg [dreg:$0x2];
	s4 =	srdreg.scid  }
0x4: {  	s3 =	simm.s32 $0x0;
	s10 =	stileid.u32;
	s13 =	simm.s32 $0x6000  }
0x5: {  	s15 =	simm.s32 $0x4;
	s17 =	simm.s32 $0x1;
	s18 =	simm.s32 $0x32  }
0x6: {  	s19 =	simm.s32 $0x7C00;
	s21 =	simm.s32 $0x9800;
	s23 =	simm.s32 $0xB400  }
0x7: {  	s29 =	simm.s32 $0xEC00;
	s31 =	simm.s32 $0x10800;
	s16 =	simm.s32 $0x14000  }
0x8: {  	s20 =	simm.s32 $0x3;
	s28 =	simm.s32 $0x0;
	s4 =	sand.u32 $0x1, s4  }
0x9: {  	[smem:$0x7FF] =	sst s3;
	s6 =	sshll.u32 s10, $0xA;
	s26 =	sshll.u32 s10, $0xD  }
0xa: {  	s30 =	smul.u32 $0x1C000, s10;
	s5 =	sshll.u32 s4, $0x4;
	_ =	strace $0x80000047  }
0xb: {  	s7 =	ssub.s32 $0x2, s4;
	s4 =	smul.u32 $0x1C0000, s4;
	s5 =	sor.u32 s10, s5  }
0xc: {  	s6 =	sadd.s32 s6, s2;
	s9 =	sshrl.u32 s7, $0x1;
	s8 =	smul.u32 $0x380, s5  }
0xd: {  	s2 =	sadd.s32 $0x4800, s2;
	s9 =	ssub.s32 s7, s9;
	s25 =	smul.u32 $0x1C000, s5  }
0xe: {  	s5 =	sadd.s32 $0x800, s6;
	s6 =	sadd.s32 s26, s1;
	s26 =	simm.s32 $0x2  }
0xf: {  	s0 =	sadd.s32 s0, s8;
	s7 =	sadd.s32 s2, s25;
	s8 =	smax.u32 s9, $0x1  }
0x10: {  	s2 =	sadd.s32 s4, s2;
	s25 =	simm.s32 $0xD000;
	[dreg:$0x4] =	wrdreg s0  }
0x11: {  	s9 =	sadd.s32 $0xE00, s7;
	s10 =	sadd.s32 $0x1A400, s7;
	s0 =	sadd.s32 s30, s2  }
0x12: {  	v0 =	vimm.f32 $0.0e+00;
	s11 =	sadd.s32 $0x1B200, s7;
	s2 =	simm.s32 $0x12400;
	s12 =	sadd.s32 $0x1C00, s0  }
.LBB2_1:
0x13: {  	s0 =	rddreg [dreg:$0x4]  }
0x14: {  	[tilespmem:s13], [sflag:$0x1] =	stream.linear.gather [hbm4b:s0+s3], $0x1C00, $0x38;
	[tilespmem:$0x15C00] =	vst v63  }
0x15: {  	s24 =	simm.s32 $0x2000  }
0x16: {  	[tilespmem:s24], [sflag:$0x4] =	stream.linear.gather [hbm4b:s5+s3], $0x2000, $0x38;
	[tilespmem:$0x15C00] =	vst v63  }
0x17: {  	_ =	swait.ge [sflag:s15], $0x2000  }
0x18: {  	[sflag:s15] =	ssyncset.done $0x0  }
0x19: {  	s14 =	simm.s32 $0x0;
	[sflag:s15] =	ssyncadd.s32 $0xFFFFE000  }
0x1a: {  	v1 =	vld [tilespmem:s14+$0x2030];
	_ =	sdelay $0x2  }
0x1b: {  	v2 =	vld [tilespmem:s14+$0x2000]  }
0x1c: {  	v3 =	vld [tilespmem:s14+$0x2010]  }
0x1d: {  	v4 =	vld [tilespmem:s14+$0x2020];
	v1 =	vadd.f32 v1, v1  }
0x1e: {  	[tilespmem:s14+$0x4040] =	vst v0  }
0x1f: {  	[tilespmem:s14+$0x4050] =	vst v0;
	v1 =	vmul.f32 $1.442695020e+00, v1  }
0x20: {  	[tilespmem:s14+$0x4060] =	vst v0;
	v2 =	vadd.f32 v2, v2  }
0x21: {  	s30 =	simm.s32 $0x80;
	[tilespmem:s14+$0x4070] =	vst v0;
	v3 =	vadd.f32 v3, v3;
	(erf) = vpow2.f32 v1  }
0x22: {  	v4 =	vadd.f32 v4, v4;
	v2 =	vmul.f32 $1.442695020e+00, v2;
	v1 =	vld [tilespmem:s30+$0x2030]  }
0x23: {  	v5 =	vld [tilespmem:s30+$0x2000];
	v3 =	vmul.f32 $1.442695020e+00, v3  }
0x24: {  	v4 =	vmul.f32 $1.442695020e+00, v4;
	(erf) = vpow2.f32 v2  }
0x25: {  	v2 =	vld [tilespmem:s30+$0x2010];
	(erf) = vpow2.f32 v3  }
0x26: {  	v3 =	vld [tilespmem:s30+$0x2020];
	(erf) = vpow2.f32 v4  }
0x27: {  	[tilespmem:s30+$0x4040] =	vst v0;
	v1 =	vadd.f32 v1, v1  }
0x28: {  	[tilespmem:s30+$0x4050] =	vst v0;
	v4 =	vadd.f32 v5, v5  }
0x29: {  	[tilespmem:s30+$0x4060] =	vst v0;
	v1 =	vmul.f32 $1.442695020e+00, v1  }
0x2a: {  	s0 =	simm.s32 $0x100;
	[tilespmem:s30+$0x4070] =	vst v0;
	v4 =	vmul.f32 $1.442695020e+00, v4;
	v2 =	vadd.f32 v2, v2;
	v5 =	vpop (erf)  }
0x2b: {  	v3 =	vadd.f32 v3, v3;
	(erf) = vpow2.f32 v1;
	v1 =	vadd.f32 $1.000000000e+00, v5;
	v5 =	vld [tilespmem:s0+$0x2030]  }
0x2c: {  	v2 =	vmul.f32 $1.442695020e+00, v2;
	(erf) = vpow2.f32 v4;
	v4 =	vld [tilespmem:s0+$0x2000]  }
0x2d: {  	v7 =	vld [tilespmem:s0+$0x2010];
	v3 =	vmul.f32 $1.442695020e+00, v3;
	v6 =	vpop (erf);
	(erf) = vrcp.f32 v1  }
0x2e: {  	v1 =	vadd.f32 $1.000000000e+00, v6;
	v6 =	vpop (erf);
	(erf) = vpow2.f32 v2  }
0x2f: {  	v2 =	vadd.f32 $1.000000000e+00, v6;
	v6 =	vpop (erf);
	(erf) = vpow2.f32 v3  }
0x30: {  	[tilespmem:s0+$0x4040] =	vst v0;
	v3 =	vld [tilespmem:s0+$0x2020];
	v6 =	vadd.f32 $1.000000000e+00, v6;
	(erf) = vrcp.f32 v1  }
0x31: {  	[tilespmem:s0+$0x4050] =	vst v0;
	v1 =	vadd.f32 v5, v5;
	(erf) = vrcp.f32 v2;
	v2 =	vadd.f32 v4, v4  }
0x32: {  	[tilespmem:s0+$0x4060] =	vst v0;
	v4 =	vadd.f32 v7, v7;
	(erf) = vrcp.f32 v6  }
0x33: {  	s22 =	simm.s32 $0x180;
	[tilespmem:s0+$0x4070] =	vst v0;
	v1 =	vmul.f32 $1.442695020e+00, v1;
	v2 =	vmul.f32 $1.442695020e+00, v2  }
0x34: {  	v7 =	vld [tilespmem:s22+$0x2000];
	v5 =	vpop (erf);
	v4 =	vmul.f32 $1.442695020e+00, v4  }
0x35: {  	v3 =	vadd.f32 v3, v3;
	(erf) = vpow2.f32 v1;
	v1 =	vadd.f32 $1.000000000e+00, v5  }
0x36: {  	v6 =	vld [tilespmem:s22+$0x2030];
	v5 =	vpop (erf);
	(erf) = vpow2.f32 v2  }
0x37: {  	v9 =	vld [tilespmem:s22+$0x2010];
	v3 =	vmul.f32 $1.442695020e+00, v3;
	(erf) = vrcp.f32 v1;
	v1 =	vadd.f32 $1.000000000e+00, v5;
	v2 =	vpop (erf)  }
0x38: {  	v8 =	vpop (erf);
	v2 =	vadd.f32 v2, v2;
	(erf) = vpow2.f32 v4  }
0x39: {  	[tilespmem:s22+$0x4040] =	vst v0;
	v7 =	vadd.f32 v7, v7;
	v4 =	vpop (erf);
	v5 =	vadd.f32 $1.000000000e+00, v8;
	v8 =	vld [tilespmem:s22+$0x2020];
	(erf) = vpow2.f32 v3  }
0x3a: {  	[tilespmem:s22+$0x4050] =	vst v0;
	v3 =	vadd.f32 $1.000000000e+00, v4;
	v4 =	vpop (erf);
	v2 =	vsub.f32 $1.000000000e+00, v2;
	(erf) = vrcp.f32 v1  }
0x3b: {  	[tilespmem:s22+$0x4060] =	vst v0;
	v6 =	vadd.f32 v6, v6;
	v4 =	vadd.f32 v4, v4;
	v1 =	vpop (erf);
	(erf) = vrcp.f32 v5  }
0x3c: {  	v5 =	vadd.f32 v1, v1;
	v1 =	vpop (erf);
	(erf) = vrcp.f32 v3;
	[tilespmem:s14+$0x4030] =	vst v2;
	v2 =	vadd.f32 v9, v9  }
0x3d: {  	v63 =	vmul.f32 $1.442695020e+00, v6;
	v1 =	vadd.f32 v1, v1;
	v10 =	vsub.f32 $1.000000000e+00, v4  }
0x3e: {  	[tilespmem:s22+$0x4070] =	vst v0;
	v4 =	vmul.f32 $1.442695020e+00, v7;
	v7 =	vpop (erf);
	v3 =	vadd.f32 v8, v8;
	v6 =	vsub.f32 $1.000000000e+00, v5  }
0x3f: {  	s4 =	simm.s32 $0xA00;
	s24 =	simm.s32 $0x200;
	(erf) = vpow2.f32 v63;
	v2 =	vmul.f32 $1.442695020e+00, v2;
	v5 =	vadd.f32 $1.000000000e+00, v7;
	v7 =	vpop (erf);
	[tilespmem:s14+$0x4000] =	vst v10  }
.LBB2_2:
0x40: {  	p0 =	sne.s32 s4, $0x7E00;
	v8 =	vld [tilespmem:s24+$0x2030];
	v3 =	vmul.f32 $1.442695020e+00, v3;
	(erf) = vpow2.f32 v4;
	v4 =	vadd.f32 $1.000000000e+00, v7;
	v7 =	vpop (erf);
	[tilespmem:s14+$0x4010] =	vst v6  }
0x41: {  	v11 =	vsub.f32 $1.000000000e+00, v1;
	v6 =	vld [tilespmem:s24+$0x2000];
	[tilespmem:s24+$0x4040] =	vst v0;
	v9 =	vpop (erf);
	(erf) = vrcp.f32 v5;
	v5 =	vadd.f32 v7, v7  }
0x42: {  	v7 =	vld [tilespmem:s24+$0x2010];
	[tilespmem:s24+$0x4050] =	vst v0;
	(erf) = vpow2.f32 v2;
	v2 =	vadd.f32 $1.000000000e+00, v9;
	v9 =	vpop (erf)  }
0x43: {  	v10 =	vld [tilespmem:s24+$0x2020];
	(erf) = vpow2.f32 v3;
	v3 =	vadd.f32 $1.000000000e+00, v9;
	v5 =	vsub.f32 $1.000000000e+00, v5;
	v9 =	vpop (erf);
	[tilespmem:s14+$0x4020] =	vst v11;
	s14 =	smov.u32 s30;
	s30 =	smov.u32 s0;
	s0 =	smov.u32 s22  }
0x44: {  	s22 =	smov.u32 s24;
	[tilespmem:s24+$0x4060] =	vst v0;
	(erf) = vrcp.f32 v4;
	v4 =	vadd.f32 v9, v9;
	v1 =	vpop (erf)  }
.Ltmp0:
0x45: {  	v8 =	vadd.f32 v8, v8;
	(erf) = vrcp.f32 v2;
	v2 =	vadd.f32 v1, v1;
	[tilespmem:s14+$0x4030] =	vst v5;
	v1 =	vpop (erf);
	(pc) =	sbr.rel @p0 .LBB2_2-.Ltmp0, $4  }
0x46: {  	v6 =	vadd.f32 v6, v6;
	[tilespmem:s22+$0x4070] =	vst v0;
	(erf) = vrcp.f32 v3;
	v1 =	vadd.f32 v1, v1  }
0x47: {  	v9 =	vsub.f32 $1.000000000e+00, v4;
	v11 =	vadd.f32 v7, v7;
	v8 =	vmul.f32 $1.442695020e+00, v8  }
0x48: {  	v4 =	vmul.f32 $1.442695020e+00, v6;
	v3 =	vadd.f32 v10, v10;
	v5 =	vpop (erf);
	v6 =	vsub.f32 $1.000000000e+00, v2  }
0x49: {  	s24 =	sshra.s32 s4, $0x2;
	s4 =	sadd.s32 $0x200, s4;
	v2 =	vmul.f32 $1.442695020e+00, v11;
	(erf) = vpow2.f32 v8;
	v5 =	vadd.f32 $1.000000000e+00, v5;
	v7 =	vpop (erf);
	[tilespmem:s14+$0x4000] =	vst v9  }
0x4a: {  	v8 =	vld [tilespmem:s24+$0x2030];
	[tilespmem:s14+$0x4010] =	vst v6  }
0x4b: {  	(erf) = vpow2.f32 v4;
	v3 =	vmul.f32 $1.442695020e+00, v3;
	v6 =	vld [tilespmem:s24+$0x2000]  }
0x4c: {  	v33 =	vpop (erf);
	v9 =	vld [tilespmem:s24+$0x2010];
	(erf) = vrcp.f32 v5  }
0x4d: {  	v34 =	vadd.f32 $1.000000000e+00, v7;
	v10 =	vpop (erf);
	v35 =	vld [tilespmem:s24+$0x2020];
	(erf) = vpow2.f32 v2  }
0x4e: {  	v2 =	vpop (erf);
	v10 =	vadd.f32 $1.000000000e+00, v10;
	(erf) = vpow2.f32 v3  }
0x4f: {  	v2 =	vadd.f32 $1.000000000e+00, v2;
	v3 =	vpop (erf);
	(erf) = vrcp.f32 v34;
	v8 =	vadd.f32 v8, v8  }
0x50: {  	v36 =	vpop (erf);
	(erf) = vrcp.f32 v10;
	v6 =	vadd.f32 v6, v6  }
0x51: {  	v37 =	vpop (erf);
	(erf) = vrcp.f32 v2;
	v2 =	vadd.f32 v9, v9;
	v8 =	vmul.f32 $1.442695020e+00, v8  }
0x52: {  	v7 =	vadd.f32 v35, v35;
	v6 =	vmul.f32 $1.442695020e+00, v6;
	v38 =	vpop (erf)  }
0x53: {  	v2 =	vmul.f32 $1.442695020e+00, v2;
	(erf) = vpow2.f32 v8;
	v39 =	vadd.f32 $1.000000000e+00, v38  }
0x54: {  	(erf) = vpow2.f32 v6  }
0x55: {  	v7 =	vmul.f32 $1.442695020e+00, v7;
	v40 =	vpop (erf);
	(erf) = vrcp.f32 v39  }
0x56: {  	v41 =	vpop (erf);
	(erf) = vpow2.f32 v2  }
0x57: {  	v2 =	vpop (erf);
	(erf) = vpow2.f32 v7  }
0x58: {  	v42 =	vpop (erf)  }
0x59: {  	v43 =	vpop (erf)  }
0x5a: {  	v11 =	vpop (erf)  }
0x5b: {  	v4 =	vadd.f32 v33, v33;
	v6 =	vadd.f32 $1.000000000e+00, v40;
	v12 =	vpop (erf)  }
0x5c: {  	v1 =	vsub.f32 $1.000000000e+00, v1;
	v2 =	vadd.f32 $1.000000000e+00, v2;
	v13 =	vpop (erf)  }
0x5d: {  	[tilespmem:s24+$0x4040] =	vst v0;
	v4 =	vsub.f32 $1.000000000e+00, v4;
	v7 =	vadd.f32 $1.000000000e+00, v42;
	(erf) = vrcp.f32 v6;
	v44 =	vpop (erf)  }
0x5e: {  	[tilespmem:s24+$0x4050] =	vst v0;
	v3 =	vadd.f32 v3, v3;
	(erf) = vrcp.f32 v2;
	v2 =	vadd.f32 $1.000000000e+00, v13;
	v45 =	vpop (erf)  }
0x5f: {  	[tilespmem:s14+$0x4020] =	vst v1;
	v1 =	vadd.f32 v36, v36;
	(erf) = vrcp.f32 v7;
	v46 =	vadd.f32 $1.000000000e+00, v44;
	v47 =	vpop (erf)  }
0x60: {  	[tilespmem:s24+$0x4060] =	vst v0;
	v48 =	vadd.f32 v37, v37;
	(erf) = vrcp.f32 v2;
	v2 =	vadd.f32 $1.000000000e+00, v47;
	v49 =	vpop (erf)  }
0x61: {  	[tilespmem:s30+$0x4030] =	vst v4;
	v3 =	vsub.f32 $1.000000000e+00, v3;
	(erf) = vrcp.f32 v46;
	v50 =	vadd.f32 $1.000000000e+00, v49  }
0x62: {  	[tilespmem:s24+$0x4070] =	vst v0;
	v1 =	vsub.f32 $1.000000000e+00, v1;
	v51 =	vadd.f32 v41, v41;
	(erf) = vrcp.f32 v2  }
0x63: {  	[tilespmem:s30+$0x4000] =	vst v3;
	v3 =	vadd.f32 v43, v43;
	v2 =	vsub.f32 $1.000000000e+00, v48;
	(erf) = vrcp.f32 v50  }
0x64: {  	[tilespmem:s30+$0x4010] =	vst v1;
	v1 =	vsub.f32 $1.000000000e+00, v51;
	v52 =	vadd.f32 v11, v11  }
0x65: {  	v3 =	vsub.f32 $1.000000000e+00, v3;
	[tilespmem:s30+$0x4020] =	vst v2;
	v2 =	vadd.f32 v12, v12  }
0x66: {  	v53 =	vadd.f32 v45, v45;
	v54 =	vpop (erf);
	[tilespmem:s0+$0x4030] =	vst v1;
	v1 =	vsub.f32 $1.000000000e+00, v52  }
0x67: {  	v55 =	vpop (erf);
	[tilespmem:s0+$0x4000] =	vst v3;
	v3 =	vadd.f32 v54, v54;
	v2 =	vsub.f32 $1.000000000e+00, v2  }
0x68: {  	v56 =	vadd.f32 v55, v55;
	v57 =	vpop (erf);
	[tilespmem:s0+$0x4010] =	vst v1;
	v1 =	vsub.f32 $1.000000000e+00, v53  }
0x69: {  	v3 =	vsub.f32 $1.000000000e+00, v3;
	[tilespmem:s0+$0x4020] =	vst v2;
	v2 =	vadd.f32 v57, v57;
	v58 =	vpop (erf)  }
0x6a: {  	[tilespmem:s22+$0x4030] =	vst v1;
	v1 =	vsub.f32 $1.000000000e+00, v56;
	v59 =	vadd.f32 v58, v58;
	v60 =	vpop (erf)  }
0x6b: {  	[tilespmem:s22+$0x4000] =	vst v3;
	v2 =	vsub.f32 $1.000000000e+00, v2;
	v3 =	vadd.f32 v60, v60;
	v61 =	vpop (erf)  }
0x6c: {  	[tilespmem:s22+$0x4010] =	vst v1;
	v1 =	vsub.f32 $1.000000000e+00, v59;
	v62 =	vadd.f32 v61, v61;
	v63 =	vpop (erf)  }
0x6d: {  	[tilespmem:s22+$0x4020] =	vst v2;
	v3 =	vsub.f32 $1.000000000e+00, v3;
	v2 =	vadd.f32 v63, v63  }
0x6e: {  	[tilespmem:s24+$0x4030] =	vst v1;
	v1 =	vsub.f32 $1.000000000e+00, v62  }
0x6f: {  	[tilespmem:s24+$0x4000] =	vst v3;
	v2 =	vsub.f32 $1.000000000e+00, v2  }
0x70: {  	[tilespmem:s24+$0x4010] =	vst v1  }
0x71: {  	s30 =	simm.s32 $0x4000;
	[tilespmem:s24+$0x4020] =	vst v2  }
0x72: {  	[spmem:s6] =	stream.linear.scatter [tilespmem:s30], [sflag:$0x4], $0x2000, $0x38;
	[tilespmem:$0x15C00] =	vst v63  }
0x73: {  	_ =	swait.ge [sflag:s15], $0x2000  }
0x74: {  	[sflag:s15] =	ssyncset.done $0x0  }
0x75: {  	[sflag:s15] =	ssyncadd.s32 $0xFFFFE000  }
0x76: {  	_ =	swait.ge [sflag:s17], $0x1C00  }
0x77: {  	[sflag:s17] =	ssyncset.done $0x0  }
0x78: {  	[sflag:s17] =	ssyncadd.s32 $0xFFFFE400  }
0x79: {  	[bflag:$0x0] =	sbarrier.arrive $0xFFFF  }
0x7a: {  	[tilespmem:s19], [sflag:$0x2] =	stream.indirect.gather [spmem:s1], $0x80, s13, s18, $0xb8;
	[tilespmem:$0x15C00] =	vst v63  }
0x7b: {  	s4 =	simm.s32 $0x6038  }
0x7c: {  	[tilespmem:s21], [sflag:$0x2] =	stream.indirect.gather [spmem:s1], $0x80, s4, s18, $0xb8;
	[tilespmem:$0x15C00] =	vst v63  }
0x7d: {  	s14 =	simm.s32 $0x6070  }
0x7e: {  	[tilespmem:s23], [sflag:$0x2] =	stream.indirect.gather [spmem:s1], $0x80, s14, s18, $0xb8;
	[tilespmem:$0x15C00] =	vst v63  }
0x7f: {  	s22 =	simm.s32 $0x60A8  }
0x80: {  	[tilespmem:s25], [sflag:$0x2] =	stream.indirect.gather [spmem:s1], $0x80, s22, s18, $0xb8;
	[tilespmem:$0x15C00] =	vst v63  }
0x81: {  	_ =	swait.ge [sflag:s26], $0x1900  }
0x82: {  	[sflag:s26] =	ssyncset.done $0x0  }
0x83: {  	[sflag:s26] =	ssyncadd.s32 $0xFFFFE700  }
0x84: {  	_ =	swait.ge [sflag:s26], $0x1900  }
0x85: {  	[sflag:s26] =	ssyncset.done $0x0  }
0x86: {  	[sflag:s26] =	ssyncadd.s32 $0xFFFFE700  }
0x87: {  	_ =	swait.ge [sflag:s26], $0x1900  }
0x88: {  	[sflag:s26] =	ssyncset.done $0x0  }
0x89: {  	[sflag:s26] =	ssyncadd.s32 $0xFFFFE700  }
0x8a: {  	_ =	swait.ge [sflag:s26], $0x1900  }
0x8b: {  	[sflag:s26] =	ssyncset.done $0x0  }
0x8c: {  	s24 =	simm.s32 $0x60E0;
	[sflag:s26] =	ssyncadd.s32 $0xFFFFE700  }
0x8d: {  	[tilespmem:s29], [sflag:$0x2] =	stream.indirect.gather [spmem:s1], $0x80, s24, s18, $0xb8;
	[tilespmem:$0x15C00] =	vst v63  }
0x8e: {  	s30 =	simm.s32 $0x6118  }
0x8f: {  	[tilespmem:s31], [sflag:$0x2] =	stream.indirect.gather [spmem:s1], $0x80, s30, s18, $0xb8;
	[tilespmem:$0x15C00] =	vst v63  }
0x90: {  	s4 =	simm.s32 $0x6150  }
0x91: {  	[tilespmem:s2], [sflag:$0x2] =	stream.indirect.gather [spmem:s1], $0x80, s4, s18, $0xb8;
	[tilespmem:$0x15C00] =	vst v63  }
0x92: {  	s14 =	simm.s32 $0x6188  }
0x93: {  	[tilespmem:s16], [sflag:$0x2] =	stream.indirect.gather [spmem:s1], $0x80, s14, s18, $0xb8;
	[tilespmem:$0x15C00] =	vst v63  }
0x94: {  	s22 =	simm.s32 $0x0  }
0x95: {  	[hbm4b:s7+s22] =	stream.linear.scatter [tilespmem:s19], [sflag:$0x3], $0x7000, $0x38;
	[tilespmem:$0x15C00] =	vst v63  }
0x96: {  	_ =	swait.ge [sflag:s26], $0x1900  }
0x97: {  	[sflag:s26] =	ssyncset.done $0x0  }
0x98: {  	[sflag:s26] =	ssyncadd.s32 $0xFFFFE700  }
0x99: {  	_ =	swait.ge [sflag:s26], $0x1900  }
0x9a: {  	[sflag:s26] =	ssyncset.done $0x0  }
0x9b: {  	[sflag:s26] =	ssyncadd.s32 $0xFFFFE700  }
0x9c: {  	_ =	swait.ge [sflag:s26], $0x1900  }
0x9d: {  	[sflag:s26] =	ssyncset.done $0x0  }
0x9e: {  	[sflag:s26] =	ssyncadd.s32 $0xFFFFE700  }
0x9f: {  	_ =	swait.ge [sflag:s26], $0x1900  }
0xa0: {  	[sflag:s26] =	ssyncset.done $0x0  }
0xa1: {  	[sflag:s26] =	ssyncadd.s32 $0xFFFFE700  }
0xa2: {  	_ =	swait.ge [sflag:s20], $0x7000  }
0xa3: {  	[sflag:s20] =	ssyncset.done $0x0  }
0xa4: {  	s4 =	simm.s32 $0x61C0;
	[sflag:s20] =	ssyncadd.s32 $0xFFFF9000  }
0xa5: {  	[tilespmem:s19], [sflag:$0x2] =	stream.indirect.gather [spmem:s1], $0x80, s4, s18, $0xb8;
	[tilespmem:$0x15C00] =	vst v63  }
0xa6: {  	s24 =	simm.s32 $0x61F8  }
0xa7: {  	[tilespmem:s21], [sflag:$0x2] =	stream.indirect.gather [spmem:s1], $0x80, s24, s18, $0xb8;
	[tilespmem:$0x15C00] =	vst v63  }
0xa8: {  	s30 =	simm.s32 $0x6230  }
0xa9: {  	[tilespmem:s23], [sflag:$0x2] =	stream.indirect.gather [spmem:s1], $0x80, s30, s18, $0xb8;
	[tilespmem:$0x15C00] =	vst v63  }
0xaa: {  	s14 =	simm.s32 $0x6268  }
0xab: {  	[tilespmem:s25], [sflag:$0x2] =	stream.indirect.gather [spmem:s1], $0x80, s14, s18, $0xb8;
	[tilespmem:$0x15C00] =	vst v63  }
0xac: {  	_ = 	snop  }
0xad: {  	[hbm4b:s9+s22] =	stream.linear.scatter [tilespmem:s29], [sflag:$0x3], $0x7000, $0x38;
	[tilespmem:$0x15C00] =	vst v63  }
0xae: {  	_ =	swait.ge [sflag:s26], $0x1900  }
0xaf: {  	[sflag:s26] =	ssyncset.done $0x0  }
0xb0: {  	[sflag:s26] =	ssyncadd.s32 $0xFFFFE700  }
0xb1: {  	_ =	swait.ge [sflag:s26], $0x1900  }
0xb2: {  	[sflag:s26] =	ssyncset.done $0x0  }
0xb3: {  	[sflag:s26] =	ssyncadd.s32 $0xFFFFE700  }
0xb4: {  	_ =	swait.ge [sflag:s26], $0x1900  }
0xb5: {  	[sflag:s26] =	ssyncset.done $0x0  }
0xb6: {  	[sflag:s26] =	ssyncadd.s32 $0xFFFFE700  }
0xb7: {  	_ =	swait.ge [sflag:s26], $0x1900  }
0xb8: {  	[sflag:s26] =	ssyncset.done $0x0  }
0xb9: {  	[sflag:s26] =	ssyncadd.s32 $0xFFFFE700  }
0xba: {  	_ =	swait.ge [sflag:s20], $0x7000  }
0xbb: {  	[sflag:s20] =	ssyncset.done $0x0  }
0xbc: {  	s22 =	simm.s32 $0x62A0;
	[sflag:s20] =	ssyncadd.s32 $0xFFFF9000  }
0xbd: {  	[tilespmem:s29], [sflag:$0x2] =	stream.indirect.gather [spmem:s1], $0x80, s22, s18, $0xb8;
	[tilespmem:$0x15C00] =	vst v63  }
0xbe: {  	s24 =	simm.s32 $0x62D8  }
0xbf: {  	[tilespmem:s31], [sflag:$0x2] =	stream.indirect.gather [spmem:s1], $0x80, s24, s18, $0xb8;
	[tilespmem:$0x15C00] =	vst v63  }
0xc0: {  	s30 =	simm.s32 $0x6310  }
0xc1: {  	[tilespmem:s2], [sflag:$0x2] =	stream.indirect.gather [spmem:s1], $0x80, s30, s18, $0xb8;
	[tilespmem:$0x15C00] =	vst v63  }
0xc2: {  	s4 =	simm.s32 $0x6348  }
0xc3: {  	[tilespmem:s16], [sflag:$0x2] =	stream.indirect.gather [spmem:s1], $0x80, s4, s18, $0xb8;
	[tilespmem:$0x15C00] =	vst v63  }
0xc4: {  	_ = 	snop  }
0xc5: {  	[hbm4b:s12+s3] =	stream.linear.scatter [tilespmem:s19], [sflag:$0x3], $0x7000, $0x38;
	[tilespmem:$0x15C00] =	vst v63  }
0xc6: {  	_ =	swait.ge [sflag:s26], $0x1900  }
0xc7: {  	[sflag:s26] =	ssyncset.done $0x0  }
0xc8: {  	[sflag:s26] =	ssyncadd.s32 $0xFFFFE700  }
0xc9: {  	_ =	swait.ge [sflag:s26], $0x1900  }
0xca: {  	[sflag:s26] =	ssyncset.done $0x0  }
0xcb: {  	[sflag:s26] =	ssyncadd.s32 $0xFFFFE700  }
0xcc: {  	_ =	swait.ge [sflag:s26], $0x1900  }
0xcd: {  	[sflag:s26] =	ssyncset.done $0x0  }
0xce: {  	[sflag:s26] =	ssyncadd.s32 $0xFFFFE700  }
0xcf: {  	_ =	swait.ge [sflag:s26], $0x1900  }
0xd0: {  	[sflag:s26] =	ssyncset.done $0x0  }
0xd1: {  	[sflag:s26] =	ssyncadd.s32 $0xFFFFE700  }
0xd2: {  	_ =	swait.ge [sflag:s20], $0x7000  }
0xd3: {  	[sflag:s20] =	ssyncset.done $0x0  }
0xd4: {  	s14 =	simm.s32 $0x6380;
	[sflag:s20] =	ssyncadd.s32 $0xFFFF9000  }
0xd5: {  	[tilespmem:s19], [sflag:$0x2] =	stream.indirect.gather [spmem:s1], $0x80, s14, s18, $0xb8;
	[tilespmem:$0x15C00] =	vst v63  }
0xd6: {  	s22 =	simm.s32 $0x63B8  }
0xd7: {  	[tilespmem:s21], [sflag:$0x2] =	stream.indirect.gather [spmem:s1], $0x80, s22, s18, $0xb8;
	[tilespmem:$0x15C00] =	vst v63  }
0xd8: {  	s0 =	simm.s32 $0x700;
	s24 =	simm.s32 $0x63F0  }
0xd9: {  	[tilespmem:s23], [sflag:$0x2] =	stream.indirect.gather [spmem:s1], $0x80, s24, s18, $0xb8;
	[tilespmem:$0x15C00] =	vst v63  }
0xda: {  	s30 =	simm.s32 $0x6428;
	s4 =	sadd.s32 $0xE00, s12;
	s14 =	sadd.s32 $0x1C00, s12  }
0xdb: {  	[tilespmem:s25], [sflag:$0x2] =	stream.indirect.gather [spmem:s1], $0x80, s30, s18, $0xb8;
	[tilespmem:$0x15C00] =	vst v63  }
.LBB2_4:
0xdc: {  	[hbm4b:s4+s3] =	stream.linear.scatter [tilespmem:s29], [sflag:$0x3], $0x7000, $0x38;
	[tilespmem:$0x15C00] =	vst v63  }
0xdd: {  	s4 =	smov.u32 s0  }
0xde: {  	p0 =	sne.s32 s0, $0x5B00;
	s0 =	sadd.s32 $0x700, s0;
	_ =	swait.ge [sflag:s26], $0x1900  }
0xdf: {  	[sflag:s26] =	ssyncset.done $0x0  }
0xe0: {  	[sflag:s26] =	ssyncadd.s32 $0xFFFFE700  }
0xe1: {  	_ =	swait.ge [sflag:s26], $0x1900  }
0xe2: {  	[sflag:s26] =	ssyncset.done $0x0  }
0xe3: {  	[sflag:s26] =	ssyncadd.s32 $0xFFFFE700  }
0xe4: {  	_ =	swait.ge [sflag:s26], $0x1900  }
0xe5: {  	[sflag:s26] =	ssyncset.done $0x0  }
0xe6: {  	[sflag:s26] =	ssyncadd.s32 $0xFFFFE700  }
0xe7: {  	_ =	swait.ge [sflag:s26], $0x1900  }
0xe8: {  	[sflag:s26] =	ssyncset.done $0x0  }
0xe9: {  	[sflag:s26] =	ssyncadd.s32 $0xFFFFE700  }
0xea: {  	_ =	swait.ge [sflag:s20], $0x7000  }
0xeb: {  	s4 =	sshra.s32 s4, $0x2;
	[sflag:s20] =	ssyncset.done $0x0  }
0xec: {  	s22 =	sadd.s32 $0x62A0, s4;
	[sflag:s20] =	ssyncadd.s32 $0xFFFF9000  }
0xed: {  	[tilespmem:s29], [sflag:$0x2] =	stream.indirect.gather [spmem:s1], $0x80, s22, s18, $0xb8;
	[tilespmem:$0x15C00] =	vst v63  }
0xee: {  	s22 =	sadd.s32 $0x62D8, s4  }
0xef: {  	[tilespmem:s31], [sflag:$0x2] =	stream.indirect.gather [spmem:s1], $0x80, s22, s18, $0xb8;
	[tilespmem:$0x15C00] =	vst v63  }
0xf0: {  	s22 =	sadd.s32 $0x6310, s4  }
0xf1: {  	[tilespmem:s2], [sflag:$0x2] =	stream.indirect.gather [spmem:s1], $0x80, s22, s18, $0xb8;
	[tilespmem:$0x15C00] =	vst v63  }
0xf2: {  	s22 =	sadd.s32 $0x6348, s4  }
0xf3: {  	[tilespmem:s16], [sflag:$0x2] =	stream.indirect.gather [spmem:s1], $0x80, s22, s18, $0xb8;
	[tilespmem:$0x15C00] =	vst v63  }
0xf4: {  	_ = 	snop  }
0xf5: {  	[hbm4b:s14+s3] =	stream.linear.scatter [tilespmem:s19], [sflag:$0x3], $0x7000, $0x38;
	[tilespmem:$0x15C00] =	vst v63  }
0xf6: {  	_ =	swait.ge [sflag:s26], $0x1900  }
0xf7: {  	[sflag:s26] =	ssyncset.done $0x0  }
0xf8: {  	[sflag:s26] =	ssyncadd.s32 $0xFFFFE700  }
0xf9: {  	_ =	swait.ge [sflag:s26], $0x1900  }
0xfa: {  	[sflag:s26] =	ssyncset.done $0x0  }
0xfb: {  	[sflag:s26] =	ssyncadd.s32 $0xFFFFE700  }
0xfc: {  	_ =	swait.ge [sflag:s26], $0x1900  }
0xfd: {  	[sflag:s26] =	ssyncset.done $0x0  }
0xfe: {  	[sflag:s26] =	ssyncadd.s32 $0xFFFFE700  }
0xff: {  	_ =	swait.ge [sflag:s26], $0x1900  }
0x100: {  	[sflag:s26] =	ssyncset.done $0x0  }
0x101: {  	[sflag:s26] =	ssyncadd.s32 $0xFFFFE700  }
0x102: {  	_ =	swait.ge [sflag:s20], $0x7000  }
0x103: {  	[sflag:s20] =	ssyncset.done $0x0  }
0x104: {  	s22 =	sadd.s32 $0x6380, s4;
	[sflag:s20] =	ssyncadd.s32 $0xFFFF9000  }
0x105: {  	[tilespmem:s19], [sflag:$0x2] =	stream.indirect.gather [spmem:s1], $0x80, s22, s18, $0xb8;
	[tilespmem:$0x15C00] =	vst v63  }
0x106: {  	s22 =	sadd.s32 $0x63B8, s4  }
0x107: {  	[tilespmem:s21], [sflag:$0x2] =	stream.indirect.gather [spmem:s1], $0x80, s22, s18, $0xb8;
	[tilespmem:$0x15C00] =	vst v63  }
.Ltmp1:
0x108: {  	s22 =	sadd.s32 $0x63F0, s4;
	(pc) =	sbr.rel @p0 .LBB2_4-.Ltmp1, $4  }
0x109: {  	[tilespmem:s23], [sflag:$0x2] =	stream.indirect.gather [spmem:s1], $0x80, s22, s18, $0xb8;
	[tilespmem:$0x15C00] =	vst v63  }
0x10a: {  	s4 =	sadd.s32 $0x6428, s4  }
0x10b: {  	[tilespmem:s25], [sflag:$0x2] =	stream.indirect.gather [spmem:s1], $0x80, s4, s18, $0xb8;
	[tilespmem:$0x15C00] =	vst v63  }
0x10c: {  	s4 =	sadd.s32 $0xE00, s14;
	s14 =	sadd.s32 $0x1C00, s14  }
0x10d: {  	[hbm4b:s4+s3] =	stream.linear.scatter [tilespmem:s29], [sflag:$0x3], $0x7000, $0x38;
	[tilespmem:$0x15C00] =	vst v63  }
0x10e: {  	_ =	swait.ge [sflag:s26], $0x1900  }
0x10f: {  	[sflag:s26] =	ssyncset.done $0x0  }
0x110: {  	[sflag:s26] =	ssyncadd.s32 $0xFFFFE700  }
0x111: {  	_ =	swait.ge [sflag:s26], $0x1900  }
0x112: {  	[sflag:s26] =	ssyncset.done $0x0  }
0x113: {  	[sflag:s26] =	ssyncadd.s32 $0xFFFFE700  }
0x114: {  	_ =	swait.ge [sflag:s26], $0x1900  }
0x115: {  	[sflag:s26] =	ssyncset.done $0x0  }
0x116: {  	[sflag:s26] =	ssyncadd.s32 $0xFFFFE700  }
0x117: {  	_ =	swait.ge [sflag:s26], $0x1900  }
0x118: {  	[sflag:s26] =	ssyncset.done $0x0  }
0x119: {  	[sflag:s26] =	ssyncadd.s32 $0xFFFFE700  }
0x11a: {  	_ =	swait.ge [sflag:s20], $0x7000  }
0x11b: {  	[sflag:s20] =	ssyncset.done $0x0  }
0x11c: {  	s0 =	simm.s32 $0x7B20;
	[sflag:s20] =	ssyncadd.s32 $0xFFFF9000  }
0x11d: {  	[tilespmem:s29], [sflag:$0x2] =	stream.indirect.gather [spmem:s1], $0x80, s0, s18, $0xb8;
	[tilespmem:$0x15C00] =	vst v63  }
0x11e: {  	s22 =	simm.s32 $0x7B58  }
0x11f: {  	[tilespmem:s31], [sflag:$0x2] =	stream.indirect.gather [spmem:s1], $0x80, s22, s18, $0xb8;
	[tilespmem:$0x15C00] =	vst v63  }
0x120: {  	s24 =	simm.s32 $0x7B90  }
0x121: {  	[tilespmem:s2], [sflag:$0x2] =	stream.indirect.gather [spmem:s1], $0x80, s24, s18, $0xb8;
	[tilespmem:$0x15C00] =	vst v63  }
0x122: {  	s30 =	simm.s32 $0x7BC8  }
0x123: {  	[tilespmem:s16], [sflag:$0x2] =	stream.indirect.gather [spmem:s1], $0x80, s30, s18, $0xb8;
	[tilespmem:$0x15C00] =	vst v63  }
0x124: {  	_ = 	snop  }
0x125: {  	[hbm4b:s10+s3] =	stream.linear.scatter [tilespmem:s19], [sflag:$0x3], $0x7000, $0x38;
	[tilespmem:$0x15C00] =	vst v63  }
0x126: {  	_ =	swait.ge [sflag:s26], $0x1900  }
0x127: {  	[sflag:s26] =	ssyncset.done $0x0  }
0x128: {  	[sflag:s26] =	ssyncadd.s32 $0xFFFFE700  }
0x129: {  	_ =	swait.ge [sflag:s26], $0x1900  }
0x12a: {  	[sflag:s26] =	ssyncset.done $0x0  }
0x12b: {  	[sflag:s26] =	ssyncadd.s32 $0xFFFFE700  }
0x12c: {  	_ =	swait.ge [sflag:s26], $0x1900  }
0x12d: {  	[sflag:s26] =	ssyncset.done $0x0  }
0x12e: {  	[sflag:s26] =	ssyncadd.s32 $0xFFFFE700  }
0x12f: {  	_ =	swait.ge [sflag:s26], $0x1900  }
0x130: {  	[sflag:s26] =	ssyncset.done $0x0  }
0x131: {  	[sflag:s26] =	ssyncadd.s32 $0xFFFFE700  }
0x132: {  	s28 =	sadd.s32 $0x1, s28;
	_ =	swait.ge [sflag:s20], $0x7000  }
0x133: {  	p0 =	sne.s32 s28, s8;
	[sflag:s20] =	ssyncset.done $0x0  }
.Ltmp2:
0x134: {  	[sflag:s20] =	ssyncadd.s32 $0xFFFF9000;
	(pc) =	sbr.rel @p0 .LBB2_1-.Ltmp2, $4  }
0x135: {  	[hbm4b:s11+s3] =	stream.linear.scatter [tilespmem:s29], [sflag:$0x3], $0x7000, $0x38;
	[tilespmem:$0x15C00] =	vst v63  }
0x136: {  	_ =	swait.ge [sflag:s20], $0x7000  }
0x137: {  	[sflag:s20] =	ssyncset.done $0x0  }
0x138: {  	[sflag:s20] =	ssyncadd.s32 $0xFFFF9000  }
0x139: {  	_ =	sfence.sel $0x180000  }
0x13a: {  	[bflag:$0x0] =	sbarrier.arrive $0xFFFF  }
0x13b: {  	_ =	strace $0x90000047  }
0x13c: {  	s0 =	stileid.u32;
	[bflag:$0x2] =	sbarrier.arrive $0xFFFF  }
0x13d: {  	p0 =	sne.s32 s0, $0x0;
	s0 =	rddreg [dreg:$0x3]  }
0x13e: {  	s0 =	sadd.s32 @!p0 $0x100000, s0  }
0x13f: {  	[sflag:s0] =	ssyncadd.tile.s32 @!p0 $0x1;
	_ =	shalt  }
.Lfunc_end2:
_tile_overlayer_lowered:
.L_overlay_start_2:
0x140: {  	(tag) =	ssettag $0x2  }
0x141: {  	s0 =	rddreg [dreg:$0x0];
	s2 =	stileid.u32  }
0x142: {  	s1 =	rddreg [dreg:$0x1];
	p0 =	sne.s32 s2, $0x0  }
0x143: {  	s3 =	rddreg [dreg:$0x2];
	[bflag:$0x3] =	sbarrier.arrive $0xFFFF;
	s2 =	simm.s32 @!p0 $0x1C04  }
0x144: {  	[timem:s3], [sflag:s2] =	dma.local @!p0 [hbm:s0], s1  }
0x145: {  	s0 =	simm.s32 @!p0 $0x4  }
0x146: {  	_ =	swait.ge @!p0 [sflag:s0], s1  }
0x147: {  	s1 =	ssub.s32 @!p0 $0x0, s1;
	[sflag:s0] =	ssyncset.done @!p0 $0x0  }
0x148: {  	[sflag:s0] =	ssyncadd.s32 @!p0 s1  }
0x149: {  	[bflag:$0x3] =	sbarrier.arrive $0xFFFF  }
0x14a: {  	_ =	shalt  }

// kernel: sparse-core-data-format-call.cloned.1.call-start
scs
called_computation_lowered:
.L_overlay_start_0:
0x0: {  	s2 =	sld [smem:$0x3FD9]  }
0x1: {  	s3 =	sld [smem:$0x3FFE];
	_ =	sdelay $0x1  }
0x2: {  	s1 =	srdreg.scid  }
0x3: {  	s0 =	sand.u32 $0x1, s1  }
0x4: {  	s18 =	sshll.u32 s0, $0xA;
	s2 =	sadd.s32 s3, s2  }
0x5: {  	s2 =	sadd.s32 s2, s18  }
0x6: {  	[smem:$0x3FC6] =	sst s2  }
0x7: {  	_ = 	snop  }
0x8: {  	s2 =	sld [smem:$0x3FD0];
	(tm) =	ssettm $0x1  }
0x9: {  	s19 =	sld [smem:$0x3FFB];
	_ =	sdelay $0x3  }
0xa: {  	_ =	strace s19  }
0xb: {  	s3 =	sld [smem:$0x3FFC];
	_ =	sdelay $0x3  }
0xc: {  	_ =	strace s3  }
0xd: {  	s3 =	sld [smem:$0x3FFD];
	_ =	sdelay $0x3  }
0xe: {  	_ =	strace s3  }
0xf: {  	_ =	strace $0x8FFFFFFF  }
0x10: {  	s20 =	sld [smem:$0x3FDB];
	_ =	sdelay $0x1  }
0x11: {  	s4 =	simm.s32 $_scs_section_size  }
0x12: {  	s5 =	simm.s32 $_size__tile_overlayer_lowered;
	s6 =	simm.s32 $_tile_overlayer_lowered  }
0x13: {  	s23 =	simm.s32 $0x1BFF;
	s22 =	sshll.u32 s6, $0x1;
	s3 =	sadd.s32 s4, s20  }
0x14: {  	s7 =	simm.s32 $0x0;
	s21 =	sshll.u32 s5, $0x1;
	s5 =	sadd.s32 s22, s3  }
0x15: {  	[timem:s7], [sflag:s23] =	dma.local [hbm:s5], s21  }
0x16: {  	_ =	swait.ge [sflag:s23], s21  }
0x17: {  	s4 =	ssub.s32 $0x0, s21;
	[sflag:s23] =	ssyncset.done $0x0  }
0x18: {  	[sflag:s23] =	ssyncadd.s32 s4;
	_ =	sdelay $0x1  }
0x19: {  	s24 =	simm.s32 $0x1B8B  }
0x1a: {  	_ =	swait.ge [sflag:s24], $0x1  }
0x1b: {  	[sflag:s24] =	ssyncset.done $0x0  }
0x1c: {  	s26 =	simm.s32 $0x1B8E;
	s25 =	sld [smem:$0x3FFE];
	[sflag:s24] =	ssyncadd.s32 $0xFFFFFFFF  }
0x1d: {  	s27 =	simm.s32 $execute0_lowered;
	[smem:$0x3FD2] =	sst s26  }
0x1e: {  	s5 =	sshll.u32 s27, $0x1;
	_ =	strace $0x80000049;
	[dreg:$0x1] =	wrdreg $0xFFFFFFFF  }
0x1f: {  	s28 =	simm.s32 $_size_execute0_lowered;
	s3 =	sadd.s32 s3, s5;
	[dreg:$0x0] =	wrdreg $0x0  }
0x20: {  	s5 =	sshll.u32 s28, $0x1;
	[dreg:$0x2] =	wrdreg s3  }
0x21: {  	[dreg:$0x3] =	wrdreg s5  }
0x22: {  	[dreg:$0x4] =	wrdreg $0xC0  }
0x23: {  	_ =	task [dreg:s7], $0x5FFFF  }
0x24: {  	[dreg:$0x1] =	wrdreg $0xFFFFFFFF  }
0x25: {  	[dreg:$0x0] =	wrdreg $0x60  }
0x26: {  	[dreg:$0x2] =	wrdreg s25  }
0x27: {  	[dreg:$0x3] =	wrdreg s2  }
0x28: {  	[dreg:$0x4] =	wrdreg $0x9  }
0x29: {  	_ =	task.clear_ibuf [dreg:s7], $0x5FFFF;
	_ =	strace $0x90000049  }
0x2a: {  	s29 =	simm.s32 $0x9;
	_ =	strace $0x8000004B  }
0x2b: {  	_ =	swait.ge [sflag:s29], $0x1  }
0x2c: {  	[sflag:s29] =	ssyncadd.s32 $0xFFFFFFFF  }
0x2d: {  	_ =	strace $0x9000004B  }
0x2e: {  	_ =	sfence  }
0x2f: {  	s30 =	sld [smem:$0x0];
	_ =	sdelay $0x2  }
0x30: {  	s31 =	sshll.u32 s1, $0xD;
	s1 =	sshrl.u32 s1, $0x2  }
0x31: {  	s3 =	sand.u32 $0x4000, s31;
	s1 =	sadd.s32 s1, s30  }
0x32: {  	s0 =	sor.u32 s3, s0;
	s1 =	sshll.u32 s1, $0x11  }
0x33: {  	s0 =	sor.u32 s1, s0  }
0x34: {  	s0 =	sadd.s32 $0x8F2B, s0  }
0x35: {  	[sflag:s0] =	ssyncadd.remote.s32 $0x1  }
0x36: {  	_ =	sfence.sel $0xFFFF  }
0x37: {  	[dreg:$0x0] =	wrdreg $0xFFFFFFFF;
	(pc) =	sbr.abs _section_cstart, $3  }
0x38: {  	[dreg:$0x1] =	wrdreg $0xFFFFFFFF  }
0x39: {  	_ =	task.clear_ibuf [dreg:s7], $0x2FFFF;
	_ =	strace $0x9FFFFFFF  }
0x3a: {  	(tm) =	ssettm $0x7FFFFFFF  }
0x3b: {  	_ =	shalt  }
tec
execute0_lowered:
.L_overlay_start_1:
0x0: {  	(tag) =	ssettag $0x1  }
0x1: {  	s0 =	srdreg.scid  }
0x2: {  	s1 =	sshll.u32 s0, $0x4  }
0x3: {  	s0 =	stileid.u32;
	s1 =	sand.u32 $0x10, s1  }
0x4: {  	s1 =	sor.u32 s0, s1  }
0x5: {  	s6 =	rddreg [dreg:$0x0];
	s4 =	simm.s32 $0x1;
	s2 =	sshll.u32 s1, $0x7  }
0x6: {  	s7 =	simm.s32 $0x2;
	s12 =	simm.s32 $0x0;
	s1 =	ssub.s32 $0x1000, s2  }
0x7: {  	s8 =	simm.s32 $0x8000;
	s13 =	simm.s32 $0x0;
	s3 =	sand.u32 $0xF80, s1  }
0x8: {  	s9 =	simm.s32 $0x0;
	s5 =	sshrl.u32 s1, $0xC;
	p0 =	sne.s32 s3, $0x0  }
.Ltmp0:
0x9: {  	s1 =	rddreg [dreg:$0x2];
	s4 =	simm.s32 @!p0 $0x0;
	(pc) =	sbr.rel .LBB1_1-.Ltmp0, $4  }
0xa: {  	s11 =	simm.s32 $0x0;
	s3 =	rddreg [dreg:$0x1];
	s5 =	sadd.s32 s4, s5  }
0xb: {  	_ =	strace $0x8000004A;
	s4 =	simm.s32 $0x1;
	s5 =	smul.u32 $0x32, s5  }
0xc: {  	s6 =	sadd.s32 $0x4800, s6;
	s10 =	smov.u32 s2;
	[sflag:s4] =	ssyncpa.u1 $0x0  }
0xd: {  	p0 =	por $0x0, $0x0;
	[sflag:s7] =	ssyncpa.u1 $0x0;
	s7 =	sor.u32 $0x1, s5  }
.LBB1_4:
0xe: {  	s16 =	sshll.u32 s13, $0x3;
	s17 =	sand.u32 $0x78, s13  }
0xf: {  	s30 =	sand.u32 $0x7E00, s13;
	s12 =	sshll.u32 s12, $0xF;
	s16 =	sand.u32 $0xC00, s16  }
0x10: {  	[tilespmem:s15+$0x810 ss:$0x81] =	vst.msk $0xffff, v2;
	s31 =	sand.u32 $0x7, s13;
	s16 =	sor.u32 s17, s16;
	s17 =	sadd.s32 s3, s30  }
0x11: {  	[tilespmem:s15+$0x1020 ss:$0x81] =	vst.msk $0xffff, v0;
	s13 =	sshll.u32 s31, $0x12;
	s12 =	sadd.s32 s12, s17;
	s16 =	sshrl.u32 s16, $0x3  }
0x12: {  	[tilespmem:s15+$0x0 ss:$0x81] =	vst.msk $0xffff, v1;
	s13 =	sor.u32 $0x400, s13;
	s12 =	sadd.s32 s16, s12  }
0x13: {  	[hbm4b:s12+s13] =	stream.strided.scatter [tilespmem:s14], [sflag:$0x2], $0x2000, s8, s13, $0x20;
	[tilespmem:$0x8080] =	vst v63  }
.LBB1_5:
0x14: {  	s14 =	sadd.s32 $0x1, s9  }
0x15: {  	s12 =	sadd.s32 $0x1000, s10;
	s16 =	smov.u32 s10;
	p2 =	sgt.s32 s14, $0x31  }
0x16: {  	s16 =	smov.u32 @p2 s12  }
0x17: {  	s14 =	simm.s32 @p2 $0x0;
	p2 =	sgt.s32 s16, $0xFFF  }
0x18: {  	s16 =	smov.u32 @p2 s2;
	p2 =	sne.s32 s11, s7  }
.Ltmp1:
0x19: {  	p1 =	slt.u32 s11, $0x2;
	(pc) =	sbr.rel @!p2 .LBB1_6-.Ltmp1, $4  }
0x1a: {  	s15 =	simm.s32 @!p1 $0x2  }
0x1b: {  	s13 =	smov.u32 s10;
	p0 =	por !p0, !p0;
	_ =	swait.ge @!p1 [sflag:s15], $0x2000  }
0x1c: {  	s12 =	smov.u32 s9;
	[sflag:s15] =	ssyncset.done @!p1 $0x0;
	s9 =	smov.u32 s14  }
0x1d: {  	s11 =	sadd.s32 $0x1, s11;
	[sflag:s15] =	ssyncadd.s32 @!p1 $0xFFFFE000;
	s10 =	smov.u32 s16  }
.LBB1_1:
0x1e: {  	p1 =	sge.u32 s11, s5  }
0x1f: {  	s14 =	sand.u32 @!p1 $0x1FFFFFF, s9  }
0x20: {  	s15 =	smulhi.u32 @!p1 $0x4924925, s14;
	_ =	sdelay $0x1  }
0x21: {  	s15 =	smul.u32 @!p1 $0x38, s15  }
0x22: {  	s16 =	sxor.u32 @!p1 $0xFFFFFFFF, s11;
	s17 =	smul.u32 @!p1 $0x380, s10  }
0x23: {  	s31 =	sadd.s32 $0xFFFFFFFF, s11;
	s16 =	sshll.u32 @!p1 s16, $0xD;
	s14 =	ssub.s32 @!p1 s14, s15  }
0x24: {  	s15 =	sand.u32 @!p1 $0x2000, s16;
	s16 =	sadd.s32 @!p1 s6, s17;
	s14 =	sshll.u32 @!p1 s14, $0x4  }
0x25: {  	s17 =	simm.s32 @!p1 $0x1C00;
	s14 =	sadd.s32 @!p1 s14, s16;
	s16 =	simm.s32 @!p1 $0x40  }
0x26: {  	[tilespmem:s15], [sflag:$0x1] =	stream.strided.gather @!p1 [hbm4b:s14+s16], $0x2000, s17, s16, $0x38;
	[tilespmem:$0x8080] =	vst v63  }
0x27: {  	p1 =	sge.u32 s31, s5  }
.Ltmp2:
0x28: {  	_ = 	snop;
	(pc) =	sbr.rel @p1 .LBB1_5-.Ltmp2, $1  }
0x29: {  	_ =	sdelay $0x3  }
0x2a: {  	s14 =	simm.s32 $0x1  }
0x2b: {  	_ =	swait.ge [sflag:s4], $0x2000;
	s14 =	simm.s32 @!p0 $0x0  }
0x2c: {  	[sflag:s4] =	ssyncset.done $0x0;
	s15 =	sshll.u32 s14, $0xD  }
0x2d: {  	[sflag:s4] =	ssyncadd.s32 $0xFFFFE000;
	s18 =	sor.u32 $0x20, s15  }
0x2e: {  	s14 =	smul.u32 $0x8100, s14;
	v3 =	vld [tilespmem:s18+$0x10]  }
0x2f: {  	s30 =	sand.u32 $0x1, s11;
	v2 =	vld [tilespmem:s18+$0xFFFFFFF0]  }
0x30: {  	s15 =	smul.u32 $0x8100, s30;
	s14 =	sshrl.u32 s14, $0x2;
	v0 =	vld [tilespmem:s18+$0x0]  }
0x31: {  	v1 =	vld [tilespmem:s18+$0xFFFFFFE0];
	s16 =	sor.u32 $0x4000, s14  }
0x32: {  	s31 =	sshrl.u32 s15, $0x2;
	s15 =	sadd.s32 $0x0, s16  }
0x33: {  	s17 =	simm.s32 $0x4;
	s18 =	sadd.s32 $0x40, s18;
	s14 =	sor.u32 $0x4000, s31;
	[tilespmem:s15+$0x1830 ss:$0x81] =	vst.msk $0xffff, v3  }
.LBB1_3:
0x34: {  	v3 =	vld [tilespmem:s18+$0x10];
	p1 =	sne.s32 s17, $0x1FC;
	[tilespmem:s15+$0x810 ss:$0x81] =	vst.msk $0xffff, v2;
	s19 =	smov.u32 s17;
	s17 =	sadd.s32 $0x4, s17  }
.Ltmp3:
0x35: {  	v2 =	vld [tilespmem:s18+$0xFFFFFFF0];
	[tilespmem:s15+$0x1020 ss:$0x81] =	vst.msk $0xffff, v0;
	(pc) =	sbr.rel @p1 .LBB1_3-.Ltmp3, $4  }
0x36: {  	v0 =	vld [tilespmem:s18+$0x0];
	[tilespmem:s15+$0x0 ss:$0x81] =	vst.msk $0xffff, v1  }
0x37: {  	s15 =	sshra.s32 s19, $0x2;
	v1 =	vld [tilespmem:s18+$0xFFFFFFE0]  }
0x38: {  	s15 =	sadd.s32 s15, s16  }
0x39: {  	s18 =	sadd.s32 $0x40, s18;
	[tilespmem:s15+$0x1830 ss:$0x81] =	vst.msk $0xffff, v3  }
.Ltmp4:
0x3a: {  	_ = 	snop;
	(pc) =	sbr.rel .LBB1_4-.Ltmp4, $1  }
0x3b: {  	_ =	sdelay $0x3  }
.LBB1_6:
0x3c: {  	_ =	sfence.sel $0x180000  }
0x3d: {  	s2 =	simm.s32 $0x1;
	[bflag:$0x0] =	sbarrier.arrive $0xFFFF  }
0x3e: {  	s31 =	simm.s32 $0x2;
	[sflag:s2] =	ssyncpa.u1 $0x1  }
0x3f: {  	[sflag:s31] =	ssyncpa.u1 $0x1  }
0x40: {  	p0 =	sne.s32 s0, $0x0;
	_ =	strace $0x9000004A  }
0x41: {  	s0 =	sadd.s32 @!p0 $0x100000, s1;
	[bflag:$0x2] =	sbarrier.arrive $0xFFFF  }
0x42: {  	[sflag:s0] =	ssyncadd.tile.s32 @!p0 $0x1;
	_ =	shalt  }
.Lfunc_end1:
_tile_overlayer_lowered:
.L_overlay_start_2:
0x43: {  	(tag) =	ssettag $0x2  }
0x44: {  	s0 =	rddreg [dreg:$0x0];
	s2 =	stileid.u32  }
0x45: {  	s1 =	rddreg [dreg:$0x1];
	p0 =	sne.s32 s2, $0x0  }
0x46: {  	s3 =	rddreg [dreg:$0x2];
	[bflag:$0x3] =	sbarrier.arrive $0xFFFF;
	s2 =	simm.s32 @!p0 $0x1C01  }
0x47: {  	[timem:s3], [sflag:s2] =	dma.local @!p0 [hbm:s0], s1  }
0x48: {  	s0 =	simm.s32 @!p0 $0x1  }
0x49: {  	_ =	swait.ge @!p0 [sflag:s0], s1  }
0x4a: {  	s1 =	ssub.s32 @!p0 $0x0, s1;
	[sflag:s0] =	ssyncset.done @!p0 $0x0  }
0x4b: {  	[sflag:s0] =	ssyncadd.s32 @!p0 s1  }
0x4c: {  	[bflag:$0x3] =	sbarrier.arrive $0xFFFF  }
0x4d: {  	_ =	shalt  }

</sc_bundles>
